<compile_context>
chip_gen: v7x
topology: tpu7x:2x2x1
jax: 0.10.2.dev20260603
libtpu: 0.0.44.dev20260713+nightly
codegen_flags: <defaults>
</compile_context>

<pallas_src>
import functools

import jax
import jax.numpy as jnp
from jax import lax
from jax.experimental import pallas as pl
from jax.experimental.pallas import tpu as pltpu
from jax.experimental.pallas import tpu_sc as plsc

_NC, _NS, _LANES = 2, 16, 16
_NW = _NC * _NS
_CH = 128
_GRP = 4
_NBUF = 4


def _sc_col_sums(x4, emb_table, L, B):
    _, DIM = emb_table.shape
    nch = B // _CH
    n_iter = (L + _NW - 1) // _NW

    mesh = plsc.VectorSubcoreMesh(core_axis_name="c", subcore_axis_name="s")

    @functools.partial(
        pl.kernel,
        out_type=jax.ShapeDtypeStruct((L, DIM), jnp.float32),
        mesh=mesh,
        scratch_types=[
            pltpu.VMEM((2, nch, _CH), jnp.int32),
            pltpu.VMEM((B,), jnp.int32),
            [pltpu.VMEM((_GRP * _CH, DIM), jnp.float32) for _ in range(_NBUF)],
            pltpu.VMEM((DIM,), jnp.float32),
            pltpu.SemaphoreType.DMA,
            [pltpu.SemaphoreType.DMA for _ in range(_NBUF)],
        ],
        compiler_params=pltpu.CompilerParams(use_tc_tiling_on_sc=False),
    )
    def k(x4_hbm, table_hbm, out_hbm, idx_v, idx1, accs, row_v, sem_idx, sems):
        wid = lax.axis_index("s") * _NC + lax.axis_index("c")

        def fetch_idx(l, slot):
            pltpu.async_copy(
                x4_hbm.at[l // 8, :, l % 8, :], idx_v.at[slot], sem_idx)

        l0 = wid

        @pl.when(l0 < L)
        def _():
            fetch_idx(l0, 0)

        def body_i(i, carry):
            l = i * _NW + wid
            slot = i % 2

            @pl.when(l < L)
            def _():
                pltpu.make_async_copy(
                    x4_hbm.at[0, :, 0, :], idx_v.at[0], sem_idx).wait()
                l_next = l + _NW

                @pl.when(l_next < L)
                def _():
                    fetch_idx(l_next, 1 - slot)

                def flat(q, carry):
                    for u in range(_CH // _LANES):
                        idx1[pl.ds(q * _CH + u * _LANES, _LANES)] = (
                            idx_v[slot, q, pl.ds(u * _LANES, _LANES)])
                    return carry

                lax.fori_loop(0, nch, flat, 0)

                gch = _GRP * _CH
                for n in range(_NBUF):
                    pltpu.async_copy(
                        table_hbm.at[idx1.at[pl.ds(n * gch, gch)]],
                        accs[n], sems[n])

                def grp(p, c0):
                    for n in range(_NBUF):
                        pltpu.make_async_copy(
                            table_hbm.at[idx1.at[pl.ds(0, gch)]],
                            accs[n], sems[n]).wait()
                        pltpu.async_copy(
                            table_hbm.at[idx1.at[pl.ds((c0 + n) * gch, gch)]],
                            accs[n], sems[n], add=True)
                    return c0 + _NBUF

                lax.fori_loop(1, B // (gch * _NBUF), grp, _NBUF)

                z = jnp.zeros((_LANES,), jnp.float32)
                a0, a1 = z, z
                for n in range(_NBUF):
                    pltpu.make_async_copy(
                        table_hbm.at[idx1.at[pl.ds(0, gch)]],
                        accs[n], sems[n]).wait()

                    def red(g, acc, _n=n):
                        b0, b1 = acc
                        return (b0 + accs[_n][g, pl.ds(0, _LANES)],
                                b1 + accs[_n][g, pl.ds(_LANES, _LANES)])

                    a0, a1 = lax.fori_loop(0, gch, red, (a0, a1), unroll=8)
                row_v[pl.ds(0, _LANES)] = a0
                row_v[pl.ds(_LANES, _LANES)] = a1
                pltpu.sync_copy(row_v, out_hbm.at[l])

            return carry

        lax.fori_loop(0, n_iter, body_i, 0)

    return k(x4, emb_table)


def _tc_finish(sums, W, b2d, n_total):
    def body(sums_ref, w_ref, b_ref, out_ref):
        m = sums_ref[...] * (1.0 / n_total)
        out_ref[...] = lax.dot_general(
            m, w_ref[...], (((1,), (1,)), ((), ())),
            preferred_element_type=jnp.float32) + b_ref[...]

    L, DIM = sums.shape
    return pl.pallas_call(
        body,
        out_shape=jax.ShapeDtypeStruct((L, DIM), jnp.float32),
    )(sums, W, b2d)


def kernel(x, emb_table, W, b):
    B, L = x.shape
    xT = jnp.transpose(x.astype(jnp.int32))
    x4 = jnp.transpose(
        jnp.reshape(xT, (L // 8, 8, B // 128, 128)), (0, 2, 1, 3))
    V, DIM = emb_table.shape
    t128 = lax.optimization_barrier(
        jnp.reshape(emb_table, (V * DIM // 128, 128)))
    table_lin = jnp.reshape(t128, (V, DIM))
    sums = _sc_col_sums(x4, table_lin, L, B)
    return _tc_finish(sums, W, b.reshape(1, -1), B)

# --- scband reference (transcript-rebuilt; emitter-appended) ---
"""Pipeline reference for scband-course-embedding-48387101557404 (READ-ONLY COPY).

The authoritative reference and input builder live on the scoring server;
editing this copy changes nothing except your own understanding.
"""

import jax, jax.numpy as jnp
import numpy as np

VOCAB = 1000000
DIM = 32
B = 16384
L = 200

def setup_inputs(seed: int = 0) -> dict:
    key = jax.random.key(seed)
    k1, k2, k3, k4 = jax.random.split(key, 4)
    x = jax.random.randint(k1, (B, L), 0, VOCAB, dtype=jnp.int64) if jax.config.jax_enable_x64 else jax.random.randint(k1, (B, L), 0, VOCAB, dtype=jnp.int32)
    emb_table = jax.random.normal(k2, (VOCAB, DIM), dtype=jnp.float32)
    W = jax.random.normal(k3, (DIM, DIM), dtype=jnp.float32) * 0.1
    b = jax.random.normal(k4, (DIM,), dtype=jnp.float32) * 0.1
    return {"x": x, "emb_table": emb_table, "W": W, "b": b}

def reference(x, emb_table, W, b):
    # nn.Embedding lookup -> gather rows
    e = jnp.take(emb_table, x, axis=0)          # [B, L, DIM]
    # torch.mean(x, dim=0) -> reduce over first (batch) dim, faithful to source
    m = jnp.mean(e, axis=0)                      # [L, DIM]
    # nn.Linear: y = m @ W^T + b
    out = m @ W.T + b                            # [L, DIM]
    return out

if __name__ == "__main__":
    import jax
    _d = setup_inputs()
    print(jax.jit(kernel)(*tuple(_d.values())))

</pallas_src>

<mosaic_0001>
#map = affine_map<(d0, d1) -> (0, 0, 0, 0)>
#map1 = affine_map<(d0, d1) -> (0, 0)>
module attributes {stable_mosaic.version = 14 : i64} {
  func.func @k(%arg0: i32, %arg1: i32, %arg2: memref<25x128x8x128xi32, #tpu.memory_space<hbm>>, %arg3: memref<1000000x32xf32, #tpu.memory_space<hbm>>, %arg4: memref<200x32xf32, #tpu.memory_space<hbm>>, %arg5: memref<2x128x128xi32, #tpu.memory_space<vmem>>, %arg6: memref<16384xi32, #tpu.memory_space<vmem>>, %arg7: memref<512x32xf32, #tpu.memory_space<vmem>>, %arg8: memref<512x32xf32, #tpu.memory_space<vmem>>, %arg9: memref<512x32xf32, #tpu.memory_space<vmem>>, %arg10: memref<512x32xf32, #tpu.memory_space<vmem>>, %arg11: memref<32xf32, #tpu.memory_space<vmem>>, %arg12: memref<!tpu.dma_semaphore, #tpu.memory_space<semaphore_mem>>, %arg13: memref<!tpu.dma_semaphore, #tpu.memory_space<semaphore_mem>>, %arg14: memref<!tpu.dma_semaphore, #tpu.memory_space<semaphore_mem>>, %arg15: memref<!tpu.dma_semaphore, #tpu.memory_space<semaphore_mem>>, %arg16: memref<!tpu.dma_semaphore, #tpu.memory_space<semaphore_mem>>) attributes {dimension_semantics = [#tpu.dimension_semantics<core_parallel>, #tpu.dimension_semantics<subcore_parallel>], iteration_bounds = array<i64: 2, 16>, scalar_prefetch = 0 : i64, scratch_operands = 12 : i64, tpu.core_type = #tpu.core_type<sc_vector_subcore>, window_params = [{transform_indices = #map}, {transform_indices = #map1}, {transform_indices = #map1}]} {
    %mul3A = arith.constant 2 : i32
    %mul3A_0 = arith.muli %arg1, %mul3A : i32
    %add3A = arith.addi %mul3A_0, %arg0 : i32
    %lt3A = arith.constant 200 : i32
    %lt3A_1 = arith.cmpi slt, %add3A, %lt3A : i32
    %convert_element_type3A = arith.extui %lt3A_1 : i1 to i32
    %cond3A = arith.constant 0 : i32
    %cond3A_2 = arith.cmpi ne, %convert_element_type3A, %cond3A : i32
    scf.if %cond3A_2 {
      %jit3A = arith.constant 8 : i32
      %div3A = arith.divsi %add3A, %jit3A : i32
      %sign3A = arith.constant 0 : i32
      %sign3A_8 = arith.cmpi sgt, %add3A, %sign3A : i32
      %sign3A_9 = arith.extui %sign3A_8 : i1 to i32
      %sign3A_10 = arith.constant 0 : i32
      %sign3A_11 = arith.cmpi slt, %add3A, %sign3A_10 : i32
      %sign3A_12 = arith.extui %sign3A_11 : i1 to i32
      %sign3A_13 = arith.subi %sign3A_9, %sign3A_12 : i32
      %sign3A_14 = arith.constant 0 : i32
      %sign3A_15 = arith.cmpi sgt, %jit3A, %sign3A_14 : i32
      %sign3A_16 = arith.extui %sign3A_15 : i1 to i32
      %sign3A_17 = arith.constant 0 : i32
      %sign3A_18 = arith.cmpi slt, %jit3A, %sign3A_17 : i32
      %sign3A_19 = arith.extui %sign3A_18 : i1 to i32
      %sign3A_20 = arith.subi %sign3A_16, %sign3A_19 : i32
      %ne3A = arith.cmpi ne, %sign3A_13, %sign3A_20 : i32
      %rem3A = arith.remsi %add3A, %jit3A : i32
      %ne3A_21 = arith.constant 0 : i32
      %ne3A_22 = arith.cmpi ne, %rem3A, %ne3A_21 : i32
      %and3A = arith.andi %ne3A, %ne3A_22 : i1
      %sub3A = arith.constant 1 : i32
      %sub3A_23 = arith.subi %div3A, %sub3A : i32
      %select_n3A = arith.select %and3A, %sub3A_23, %div3A : i32
      %jit3A_24 = arith.constant 8 : i32
      %eq3A = arith.constant 0 : i32
      %eq3A_25 = arith.cmpi eq, %jit3A_24, %eq3A : i32
      %jit3A_26 = arith.constant 1 : i32
      %select_n3A_27 = arith.select %eq3A_25, %jit3A_26, %jit3A_24 : i32
      %rem3A_28 = arith.remsi %add3A, %select_n3A_27 : i32
      %ne3A_29 = arith.constant 0 : i32
      %ne3A_30 = arith.cmpi ne, %rem3A_28, %ne3A_29 : i32
      %lt3A_31 = arith.constant 0 : i32
      %lt3A_32 = arith.cmpi slt, %rem3A_28, %lt3A_31 : i32
      %lt3A_33 = arith.constant 0 : i32
      %lt3A_34 = arith.cmpi slt, %select_n3A_27, %lt3A_33 : i32
      %ne3A_35 = arith.xori %lt3A_32, %lt3A_34 : i1
      %and3A_36 = arith.andi %ne3A_35, %ne3A_30 : i1
      %add3A_37 = arith.addi %rem3A_28, %select_n3A_27 : i32
      %select_n3A_38 = arith.select %and3A_36, %add3A_37, %rem3A_28 : i32
      %dma_start3A = arith.constant 0 : i32
      %dma_start3A_39 = arith.constant 0 : i32
      %dma_start3A_40 = arith.constant 0 : i32
      %dma_start3A_41 = tpu.memref_slice %arg5[%dma_start3A, %dma_start3A_39, %dma_start3A_40] : memref<2x128x128xi32, #tpu.memory_space<vmem>> -> memref<1x128x128xi32, #tpu.memory_space<vmem>>
      %dma_start3A_42 = tpu.memref_squeeze %dma_start3A_41 : memref<1x128x128xi32, #tpu.memory_space<vmem>> -> memref<128x128xi32, #tpu.memory_space<vmem>>
      %dma_start3A_43 = arith.constant 0 : i32
      %dma_start3A_44 = arith.constant 0 : i32
      %dma_start3A_45 = tpu.memref_slice %arg2[%select_n3A, %dma_start3A_43, %select_n3A_38, %dma_start3A_44] : memref<25x128x8x128xi32, #tpu.memory_space<hbm>> -> memref<1x128x1x128xi32, #tpu.memory_space<hbm>>
      %dma_start3A_46 = tpu.memref_squeeze %dma_start3A_45 : memref<1x128x1x128xi32, #tpu.memory_space<hbm>> -> memref<128x128xi32, #tpu.memory_space<hbm>>
      %dma_start3A_47 = arith.constant 0 : i32
      %dma_start3A_48 = arith.constant 0 : i32
      %dma_start3A_49 = tpu.memref_slice %arg5[%dma_start3A, %dma_start3A_47, %dma_start3A_48] : memref<2x128x128xi32, #tpu.memory_space<vmem>> -> memref<1x128x128xi32, #tpu.memory_space<vmem>>
      %dma_start3A_50 = tpu.memref_squeeze %dma_start3A_49 : memref<1x128x128xi32, #tpu.memory_space<vmem>> -> memref<128x128xi32, #tpu.memory_space<vmem>>
      %dma_start3A_51 = arith.constant 0 : i32
      %dma_start3A_52 = arith.constant 0 : i32
      %dma_start3A_53 = tpu.memref_slice %arg2[%select_n3A, %dma_start3A_51, %select_n3A_38, %dma_start3A_52] : memref<25x128x8x128xi32, #tpu.memory_space<hbm>> -> memref<1x128x1x128xi32, #tpu.memory_space<hbm>>
      %dma_start3A_54 = tpu.memref_squeeze %dma_start3A_53 : memref<1x128x1x128xi32, #tpu.memory_space<hbm>> -> memref<128x128xi32, #tpu.memory_space<hbm>>
      tpu.enqueue_dma source(%dma_start3A_54 : memref<128x128xi32, #tpu.memory_space<hbm>>) target(%dma_start3A_50 : memref<128x128xi32, #tpu.memory_space<vmem>>) target_semaphore(%arg12 : memref<!tpu.dma_semaphore, #tpu.memory_space<semaphore_mem>>)
    } else {
    }
    %scan3A = arith.constant 0 : i32
    %scan3A_3 = arith.constant 0 : i32
    %scan3A_4 = arith.constant 7 : i32
    %scan3A_5 = arith.addi %scan3A_3, %scan3A_4 : i32
    %scan3A_6 = arith.constant 1 : i32
    scf.for %scan3A_8 = %scan3A_3 to %scan3A_5 step %scan3A_6  : i32 {
      %mul3A_9 = arith.constant 32 : i32
      %mul3A_10 = arith.muli %scan3A_8, %mul3A_9 : i32
      %add3A_11 = arith.addi %mul3A_10, %add3A : i32
      %jit3A = arith.constant 2 : i32
      %eq3A = arith.constant 0 : i32
      %eq3A_12 = arith.cmpi eq, %jit3A, %eq3A : i32
      %jit3A_13 = arith.constant 1 : i32
      %select_n3A = arith.select %eq3A_12, %jit3A_13, %jit3A : i32
      %rem3A = arith.remsi %scan3A_8, %select_n3A : i32
      %ne3A = arith.constant 0 : i32
      %ne3A_14 = arith.cmpi ne, %rem3A, %ne3A : i32
      %lt3A_15 = arith.constant 0 : i32
      %lt3A_16 = arith.cmpi slt, %rem3A, %lt3A_15 : i32
      %lt3A_17 = arith.constant 0 : i32
      %lt3A_18 = arith.cmpi slt, %select_n3A, %lt3A_17 : i32
      %ne3A_19 = arith.xori %lt3A_16, %lt3A_18 : i1
      %and3A = arith.andi %ne3A_19, %ne3A_14 : i1
      %add3A_20 = arith.addi %rem3A, %select_n3A : i32
      %select_n3A_21 = arith.select %and3A, %add3A_20, %rem3A : i32
      %lt3A_22 = arith.constant 200 : i32
      %lt3A_23 = arith.cmpi slt, %add3A_11, %lt3A_22 : i32
      %convert_element_type3A_24 = arith.extui %lt3A_23 : i1 to i32
      %cond3A_25 = arith.constant 0 : i32
      %cond3A_26 = arith.cmpi ne, %convert_element_type3A_24, %cond3A_25 : i32
      scf.if %cond3A_26 {
        %dma_wait3A = arith.constant 0 : i32
        %dma_wait3A_27 = arith.constant 0 : i32
        %dma_wait3A_28 = arith.constant 0 : i32
        %dma_wait3A_29 = arith.constant 0 : i32
        %dma_wait3A_30 = arith.constant 0 : i32
        %dma_wait3A_31 = tpu.memref_slice %arg5[%dma_wait3A_28, %dma_wait3A_29, %dma_wait3A_30] : memref<2x128x128xi32, #tpu.memory_space<vmem>> -> memref<1x128x128xi32, #tpu.memory_space<vmem>>
        %dma_wait3A_32 = tpu.memref_squeeze %dma_wait3A_31 : memref<1x128x128xi32, #tpu.memory_space<vmem>> -> memref<128x128xi32, #tpu.memory_space<vmem>>
        %dma_wait3A_33 = arith.constant 0 : i32
        %dma_wait3A_34 = arith.constant 0 : i32
        %dma_wait3A_35 = tpu.memref_slice %arg2[%dma_wait3A, %dma_wait3A_33, %dma_wait3A_27, %dma_wait3A_34] : memref<25x128x8x128xi32, #tpu.memory_space<hbm>> -> memref<1x128x1x128xi32, #tpu.memory_space<hbm>>
        %dma_wait3A_36 = tpu.memref_squeeze %dma_wait3A_35 : memref<1x128x1x128xi32, #tpu.memory_space<hbm>> -> memref<128x128xi32, #tpu.memory_space<hbm>>
        %dma_wait3A_37 = arith.constant 0 : i32
        %dma_wait3A_38 = arith.constant 0 : i32
        %dma_wait3A_39 = tpu.memref_slice %arg5[%dma_wait3A_28, %dma_wait3A_37, %dma_wait3A_38] : memref<2x128x128xi32, #tpu.memory_space<vmem>> -> memref<1x128x128xi32, #tpu.memory_space<vmem>>
        %dma_wait3A_40 = tpu.memref_squeeze %dma_wait3A_39 : memref<1x128x128xi32, #tpu.memory_space<vmem>> -> memref<128x128xi32, #tpu.memory_space<vmem>>
        %dma_wait3A_41 = arith.constant 0 : i32
        %dma_wait3A_42 = arith.constant 0 : i32
        %dma_wait3A_43 = tpu.memref_slice %arg2[%dma_wait3A, %dma_wait3A_41, %dma_wait3A_27, %dma_wait3A_42] : memref<25x128x8x128xi32, #tpu.memory_space<hbm>> -> memref<1x128x1x128xi32, #tpu.memory_space<hbm>>
        %dma_wait3A_44 = tpu.memref_squeeze %dma_wait3A_43 : memref<1x128x1x128xi32, #tpu.memory_space<hbm>> -> memref<128x128xi32, #tpu.memory_space<hbm>>
        tpu.wait_dma2 semaphore(%arg12 : memref<!tpu.dma_semaphore, #tpu.memory_space<semaphore_mem>>) src(%dma_wait3A_44 : memref<128x128xi32, #tpu.memory_space<hbm>>) dst(%dma_wait3A_40 : memref<128x128xi32, #tpu.memory_space<vmem>>)
        %add3A_45 = arith.constant 32 : i32
        %add3A_46 = arith.addi %add3A_11, %add3A_45 : i32
        %lt3A_47 = arith.constant 200 : i32
        %lt3A_48 = arith.cmpi slt, %add3A_46, %lt3A_47 : i32
        %convert_element_type3A_49 = arith.extui %lt3A_48 : i1 to i32
        %cond3A_50 = arith.constant 0 : i32
        %cond3A_51 = arith.cmpi ne, %convert_element_type3A_49, %cond3A_50 : i32
        scf.if %cond3A_51 {
          %sub3A = arith.constant 1 : i32
          %sub3A_136 = arith.subi %sub3A, %select_n3A_21 : i32
          %jit3A_137 = arith.constant 8 : i32
          %div3A = arith.divsi %add3A_46, %jit3A_137 : i32
          %sign3A = arith.constant 0 : i32
          %sign3A_138 = arith.cmpi sgt, %add3A_46, %sign3A : i32
          %sign3A_139 = arith.extui %sign3A_138 : i1 to i32
          %sign3A_140 = arith.constant 0 : i32
          %sign3A_141 = arith.cmpi slt, %add3A_46, %sign3A_140 : i32
          %sign3A_142 = arith.extui %sign3A_141 : i1 to i32
          %sign3A_143 = arith.subi %sign3A_139, %sign3A_142 : i32
          %sign3A_144 = arith.constant 0 : i32
          %sign3A_145 = arith.cmpi sgt, %jit3A_137, %sign3A_144 : i32
          %sign3A_146 = arith.extui %sign3A_145 : i1 to i32
          %sign3A_147 = arith.constant 0 : i32
          %sign3A_148 = arith.cmpi slt, %jit3A_137, %sign3A_147 : i32
          %sign3A_149 = arith.extui %sign3A_148 : i1 to i32
          %sign3A_150 = arith.subi %sign3A_146, %sign3A_149 : i32
          %ne3A_151 = arith.cmpi ne, %sign3A_143, %sign3A_150 : i32
          %rem3A_152 = arith.remsi %add3A_46, %jit3A_137 : i32
          %ne3A_153 = arith.constant 0 : i32
          %ne3A_154 = arith.cmpi ne, %rem3A_152, %ne3A_153 : i32
          %and3A_155 = arith.andi %ne3A_151, %ne3A_154 : i1
          %sub3A_156 = arith.constant 1 : i32
          %sub3A_157 = arith.subi %div3A, %sub3A_156 : i32
          %select_n3A_158 = arith.select %and3A_155, %sub3A_157, %div3A : i32
          %jit3A_159 = arith.constant 8 : i32
          %eq3A_160 = arith.constant 0 : i32
          %eq3A_161 = arith.cmpi eq, %jit3A_159, %eq3A_160 : i32
          %jit3A_162 = arith.constant 1 : i32
          %select_n3A_163 = arith.select %eq3A_161, %jit3A_162, %jit3A_159 : i32
          %rem3A_164 = arith.remsi %add3A_46, %select_n3A_163 : i32
          %ne3A_165 = arith.constant 0 : i32
          %ne3A_166 = arith.cmpi ne, %rem3A_164, %ne3A_165 : i32
          %lt3A_167 = arith.constant 0 : i32
          %lt3A_168 = arith.cmpi slt, %rem3A_164, %lt3A_167 : i32
          %lt3A_169 = arith.constant 0 : i32
          %lt3A_170 = arith.cmpi slt, %select_n3A_163, %lt3A_169 : i32
          %ne3A_171 = arith.xori %lt3A_168, %lt3A_170 : i1
          %and3A_172 = arith.andi %ne3A_171, %ne3A_166 : i1
          %add3A_173 = arith.addi %rem3A_164, %select_n3A_163 : i32
          %select_n3A_174 = arith.select %and3A_172, %add3A_173, %rem3A_164 : i32
          %dma_start3A_175 = arith.constant 0 : i32
          %dma_start3A_176 = arith.constant 0 : i32
          %dma_start3A_177 = tpu.memref_slice %arg5[%sub3A_136, %dma_start3A_175, %dma_start3A_176] : memref<2x128x128xi32, #tpu.memory_space<vmem>> -> memref<1x128x128xi32, #tpu.memory_space<vmem>>
          %dma_start3A_178 = tpu.memref_squeeze %dma_start3A_177 : memref<1x128x128xi32, #tpu.memory_space<vmem>> -> memref<128x128xi32, #tpu.memory_space<vmem>>
          %dma_start3A_179 = arith.constant 0 : i32
          %dma_start3A_180 = arith.constant 0 : i32
          %dma_start3A_181 = tpu.memref_slice %arg2[%select_n3A_158, %dma_start3A_179, %select_n3A_174, %dma_start3A_180] : memref<25x128x8x128xi32, #tpu.memory_space<hbm>> -> memref<1x128x1x128xi32, #tpu.memory_space<hbm>>
          %dma_start3A_182 = tpu.memref_squeeze %dma_start3A_181 : memref<1x128x1x128xi32, #tpu.memory_space<hbm>> -> memref<128x128xi32, #tpu.memory_space<hbm>>
          %dma_start3A_183 = arith.constant 0 : i32
          %dma_start3A_184 = arith.constant 0 : i32
          %dma_start3A_185 = tpu.memref_slice %arg5[%sub3A_136, %dma_start3A_183, %dma_start3A_184] : memref<2x128x128xi32, #tpu.memory_space<vmem>> -> memref<1x128x128xi32, #tpu.memory_space<vmem>>
          %dma_start3A_186 = tpu.memref_squeeze %dma_start3A_185 : memref<1x128x128xi32, #tpu.memory_space<vmem>> -> memref<128x128xi32, #tpu.memory_space<vmem>>
          %dma_start3A_187 = arith.constant 0 : i32
          %dma_start3A_188 = arith.constant 0 : i32
          %dma_start3A_189 = tpu.memref_slice %arg2[%select_n3A_158, %dma_start3A_187, %select_n3A_174, %dma_start3A_188] : memref<25x128x8x128xi32, #tpu.memory_space<hbm>> -> memref<1x128x1x128xi32, #tpu.memory_space<hbm>>
          %dma_start3A_190 = tpu.memref_squeeze %dma_start3A_189 : memref<1x128x1x128xi32, #tpu.memory_space<hbm>> -> memref<128x128xi32, #tpu.memory_space<hbm>>
          tpu.enqueue_dma source(%dma_start3A_190 : memref<128x128xi32, #tpu.memory_space<hbm>>) target(%dma_start3A_186 : memref<128x128xi32, #tpu.memory_space<vmem>>) target_semaphore(%arg12 : memref<!tpu.dma_semaphore, #tpu.memory_space<semaphore_mem>>)
        } else {
        }
        %scan3A_52 = arith.constant 0 : i32
        %scan3A_53 = arith.constant 0 : i32
        %scan3A_54 = arith.constant 128 : i32
        %scan3A_55 = arith.addi %scan3A_53, %scan3A_54 : i32
        %scan3A_56 = arith.constant 1 : i32
        scf.for %scan3A_136 = %scan3A_53 to %scan3A_55 step %scan3A_56  : i32 {
          %get3A = arith.index_cast %select_n3A_21 : i32 to index
          %get3A_137 = arith.index_cast %scan3A_136 : i32 to index
          %get3A_138 = arith.constant 0 : index
          %get3A_139 = tpu.vector_load %arg5[%get3A, %get3A_137, %get3A_138] {strides = array<i32>} : memref<2x128x128xi32, #tpu.memory_space<vmem>>, vector<1x1x16xi32>,
          %get3A_140 = vector.shape_cast %get3A_139 : vector<1x1x16xi32> to vector<16xi32>
          %mul3A_141 = arith.constant 128 : i32
          %mul3A_142 = arith.muli %scan3A_136, %mul3A_141 : i32
          %add3A_143 = arith.constant 0 : i32
          %add3A_144 = arith.addi %mul3A_142, %add3A_143 : i32
          %swap3A_145 = arith.index_cast %add3A_144 : i32 to index
          %swap3A_146 = tpu.vector_load %arg6[%swap3A_145] {strides = array<i32>} : memref<16384xi32, #tpu.memory_space<vmem>>, vector<16xi32>,
          %swap3A_147 = vector.shape_cast %swap3A_146 : vector<16xi32> to vector<16xi32>
          %swap3A_148 = vector.shape_cast %get3A_140 : vector<16xi32> to vector<16xi32>
          tpu.vector_store %arg6[%swap3A_145], %swap3A_148 {strides = array<i32>} : memref<16384xi32, #tpu.memory_space<vmem>>, vector<16xi32>,
          %get3A_149 = arith.index_cast %select_n3A_21 : i32 to index
          %get3A_150 = arith.index_cast %scan3A_136 : i32 to index
          %get3A_151 = arith.constant 16 : index
          %get3A_152 = tpu.vector_load %arg5[%get3A_149, %get3A_150, %get3A_151] {strides = array<i32>} : memref<2x128x128xi32, #tpu.memory_space<vmem>>, vector<1x1x16xi32>,
          %get3A_153 = vector.shape_cast %get3A_152 : vector<1x1x16xi32> to vector<16xi32>
          %mul3A_154 = arith.constant 128 : i32
          %mul3A_155 = arith.muli %scan3A_136, %mul3A_154 : i32
          %add3A_156 = arith.constant 16 : i32
          %add3A_157 = arith.addi %mul3A_155, %add3A_156 : i32
          %swap3A_158 = arith.index_cast %add3A_157 : i32 to index
          %swap3A_159 = tpu.vector_load %arg6[%swap3A_158] {strides = array<i32>} : memref<16384xi32, #tpu.memory_space<vmem>>, vector<16xi32>,
          %swap3A_160 = vector.shape_cast %swap3A_159 : vector<16xi32> to vector<16xi32>
          %swap3A_161 = vector.shape_cast %get3A_153 : vector<16xi32> to vector<16xi32>
          tpu.vector_store %arg6[%swap3A_158], %swap3A_161 {strides = array<i32>} : memref<16384xi32, #tpu.memory_space<vmem>>, vector<16xi32>,
          %get3A_162 = arith.index_cast %select_n3A_21 : i32 to index
          %get3A_163 = arith.index_cast %scan3A_136 : i32 to index
          %get3A_164 = arith.constant 32 : index
          %get3A_165 = tpu.vector_load %arg5[%get3A_162, %get3A_163, %get3A_164] {strides = array<i32>} : memref<2x128x128xi32, #tpu.memory_space<vmem>>, vector<1x1x16xi32>,
          %get3A_166 = vector.shape_cast %get3A_165 : vector<1x1x16xi32> to vector<16xi32>
          %mul3A_167 = arith.constant 128 : i32
          %mul3A_168 = arith.muli %scan3A_136, %mul3A_167 : i32
          %add3A_169 = arith.constant 32 : i32
          %add3A_170 = arith.addi %mul3A_168, %add3A_169 : i32
          %swap3A_171 = arith.index_cast %add3A_170 : i32 to index
          %swap3A_172 = tpu.vector_load %arg6[%swap3A_171] {strides = array<i32>} : memref<16384xi32, #tpu.memory_space<vmem>>, vector<16xi32>,
          %swap3A_173 = vector.shape_cast %swap3A_172 : vector<16xi32> to vector<16xi32>
          %swap3A_174 = vector.shape_cast %get3A_166 : vector<16xi32> to vector<16xi32>
          tpu.vector_store %arg6[%swap3A_171], %swap3A_174 {strides = array<i32>} : memref<16384xi32, #tpu.memory_space<vmem>>, vector<16xi32>,
          %get3A_175 = arith.index_cast %select_n3A_21 : i32 to index
          %get3A_176 = arith.index_cast %scan3A_136 : i32 to index
          %get3A_177 = arith.constant 48 : index
          %get3A_178 = tpu.vector_load %arg5[%get3A_175, %get3A_176, %get3A_177] {strides = array<i32>} : memref<2x128x128xi32, #tpu.memory_space<vmem>>, vector<1x1x16xi32>,
          %get3A_179 = vector.shape_cast %get3A_178 : vector<1x1x16xi32> to vector<16xi32>
          %mul3A_180 = arith.constant 128 : i32
          %mul3A_181 = arith.muli %scan3A_136, %mul3A_180 : i32
          %add3A_182 = arith.constant 48 : i32
          %add3A_183 = arith.addi %mul3A_181, %add3A_182 : i32
          %swap3A_184 = arith.index_cast %add3A_183 : i32 to index
          %swap3A_185 = tpu.vector_load %arg6[%swap3A_184] {strides = array<i32>} : memref<16384xi32, #tpu.memory_space<vmem>>, vector<16xi32>,
          %swap3A_186 = vector.shape_cast %swap3A_185 : vector<16xi32> to vector<16xi32>
          %swap3A_187 = vector.shape_cast %get3A_179 : vector<16xi32> to vector<16xi32>
          tpu.vector_store %arg6[%swap3A_184], %swap3A_187 {strides = array<i32>} : memref<16384xi32, #tpu.memory_space<vmem>>, vector<16xi32>,
          %get3A_188 = arith.index_cast %select_n3A_21 : i32 to index
          %get3A_189 = arith.index_cast %scan3A_136 : i32 to index
          %get3A_190 = arith.constant 64 : index
          %get3A_191 = tpu.vector_load %arg5[%get3A_188, %get3A_189, %get3A_190] {strides = array<i32>} : memref<2x128x128xi32, #tpu.memory_space<vmem>>, vector<1x1x16xi32>,
          %get3A_192 = vector.shape_cast %get3A_191 : vector<1x1x16xi32> to vector<16xi32>
          %mul3A_193 = arith.constant 128 : i32
          %mul3A_194 = arith.muli %scan3A_136, %mul3A_193 : i32
          %add3A_195 = arith.constant 64 : i32
          %add3A_196 = arith.addi %mul3A_194, %add3A_195 : i32
          %swap3A_197 = arith.index_cast %add3A_196 : i32 to index
          %swap3A_198 = tpu.vector_load %arg6[%swap3A_197] {strides = array<i32>} : memref<16384xi32, #tpu.memory_space<vmem>>, vector<16xi32>,
          %swap3A_199 = vector.shape_cast %swap3A_198 : vector<16xi32> to vector<16xi32>
          %swap3A_200 = vector.shape_cast %get3A_192 : vector<16xi32> to vector<16xi32>
          tpu.vector_store %arg6[%swap3A_197], %swap3A_200 {strides = array<i32>} : memref<16384xi32, #tpu.memory_space<vmem>>, vector<16xi32>,
          %get3A_201 = arith.index_cast %select_n3A_21 : i32 to index
          %get3A_202 = arith.index_cast %scan3A_136 : i32 to index
          %get3A_203 = arith.constant 80 : index
          %get3A_204 = tpu.vector_load %arg5[%get3A_201, %get3A_202, %get3A_203] {strides = array<i32>} : memref<2x128x128xi32, #tpu.memory_space<vmem>>, vector<1x1x16xi32>,
          %get3A_205 = vector.shape_cast %get3A_204 : vector<1x1x16xi32> to vector<16xi32>
          %mul3A_206 = arith.constant 128 : i32
          %mul3A_207 = arith.muli %scan3A_136, %mul3A_206 : i32
          %add3A_208 = arith.constant 80 : i32
          %add3A_209 = arith.addi %mul3A_207, %add3A_208 : i32
          %swap3A_210 = arith.index_cast %add3A_209 : i32 to index
          %swap3A_211 = tpu.vector_load %arg6[%swap3A_210] {strides = array<i32>} : memref<16384xi32, #tpu.memory_space<vmem>>, vector<16xi32>,
          %swap3A_212 = vector.shape_cast %swap3A_211 : vector<16xi32> to vector<16xi32>
          %swap3A_213 = vector.shape_cast %get3A_205 : vector<16xi32> to vector<16xi32>
          tpu.vector_store %arg6[%swap3A_210], %swap3A_213 {strides = array<i32>} : memref<16384xi32, #tpu.memory_space<vmem>>, vector<16xi32>,
          %get3A_214 = arith.index_cast %select_n3A_21 : i32 to index
          %get3A_215 = arith.index_cast %scan3A_136 : i32 to index
          %get3A_216 = arith.constant 96 : index
          %get3A_217 = tpu.vector_load %arg5[%get3A_214, %get3A_215, %get3A_216] {strides = array<i32>} : memref<2x128x128xi32, #tpu.memory_space<vmem>>, vector<1x1x16xi32>,
          %get3A_218 = vector.shape_cast %get3A_217 : vector<1x1x16xi32> to vector<16xi32>
          %mul3A_219 = arith.constant 128 : i32
          %mul3A_220 = arith.muli %scan3A_136, %mul3A_219 : i32
          %add3A_221 = arith.constant 96 : i32
          %add3A_222 = arith.addi %mul3A_220, %add3A_221 : i32
          %swap3A_223 = arith.index_cast %add3A_222 : i32 to index
          %swap3A_224 = tpu.vector_load %arg6[%swap3A_223] {strides = array<i32>} : memref<16384xi32, #tpu.memory_space<vmem>>, vector<16xi32>,
          %swap3A_225 = vector.shape_cast %swap3A_224 : vector<16xi32> to vector<16xi32>
          %swap3A_226 = vector.shape_cast %get3A_218 : vector<16xi32> to vector<16xi32>
          tpu.vector_store %arg6[%swap3A_223], %swap3A_226 {strides = array<i32>} : memref<16384xi32, #tpu.memory_space<vmem>>, vector<16xi32>,
          %get3A_227 = arith.index_cast %select_n3A_21 : i32 to index
          %get3A_228 = arith.index_cast %scan3A_136 : i32 to index
          %get3A_229 = arith.constant 112 : index
          %get3A_230 = tpu.vector_load %arg5[%get3A_227, %get3A_228, %get3A_229] {strides = array<i32>} : memref<2x128x128xi32, #tpu.memory_space<vmem>>, vector<1x1x16xi32>,
          %get3A_231 = vector.shape_cast %get3A_230 : vector<1x1x16xi32> to vector<16xi32>
          %mul3A_232 = arith.constant 128 : i32
          %mul3A_233 = arith.muli %scan3A_136, %mul3A_232 : i32
          %add3A_234 = arith.constant 112 : i32
          %add3A_235 = arith.addi %mul3A_233, %add3A_234 : i32
          %swap3A_236 = arith.index_cast %add3A_235 : i32 to index
          %swap3A_237 = tpu.vector_load %arg6[%swap3A_236] {strides = array<i32>} : memref<16384xi32, #tpu.memory_space<vmem>>, vector<16xi32>,
          %swap3A_238 = vector.shape_cast %swap3A_237 : vector<16xi32> to vector<16xi32>
          %swap3A_239 = vector.shape_cast %get3A_231 : vector<16xi32> to vector<16xi32>
          tpu.vector_store %arg6[%swap3A_236], %swap3A_239 {strides = array<i32>} : memref<16384xi32, #tpu.memory_space<vmem>>, vector<16xi32>,
        }
        %scan3A_57 = arith.constant 128 : i32
        %dma_start3A = arith.constant 0 : i32
        %dma_start3A_58 = tpu.memref_slice %arg6[%dma_start3A] : memref<16384xi32, #tpu.memory_space<vmem>> -> memref<512xi32, #tpu.memory_space<vmem>>
        %dma_start3A_59 = arith.constant 0 : i32
        %dma_start3A_60 = arith.constant 0 : i32
        %dma_start3A_61 = tpu.memref_slice %arg3[%dma_start3A_59, %dma_start3A_60] : memref<1000000x32xf32, #tpu.memory_space<hbm>> -> memref<1000000x32xf32, #tpu.memory_space<hbm>>
        tpu.enqueue_indirect_dma source(%dma_start3A_61 : memref<1000000x32xf32, #tpu.memory_space<hbm>>) target(%arg7 : memref<512x32xf32, #tpu.memory_space<vmem>>) offsets(%dma_start3A_58 : memref<512xi32, #tpu.memory_space<vmem>>) semaphore(%arg13 : memref<!tpu.dma_semaphore, #tpu.memory_space<semaphore_mem>>)
        %dma_start3A_62 = arith.constant 512 : i32
        %dma_start3A_63 = tpu.memref_slice %arg6[%dma_start3A_62] : memref<16384xi32, #tpu.memory_space<vmem>> -> memref<512xi32, #tpu.memory_space<vmem>>
        %dma_start3A_64 = arith.constant 0 : i32
        %dma_start3A_65 = arith.constant 0 : i32
        %dma_start3A_66 = tpu.memref_slice %arg3[%dma_start3A_64, %dma_start3A_65] : memref<1000000x32xf32, #tpu.memory_space<hbm>> -> memref<1000000x32xf32, #tpu.memory_space<hbm>>
        tpu.enqueue_indirect_dma source(%dma_start3A_66 : memref<1000000x32xf32, #tpu.memory_space<hbm>>) target(%arg8 : memref<512x32xf32, #tpu.memory_space<vmem>>) offsets(%dma_start3A_63 : memref<512xi32, #tpu.memory_space<vmem>>) semaphore(%arg14 : memref<!tpu.dma_semaphore, #tpu.memory_space<semaphore_mem>>)
        %dma_start3A_67 = arith.constant 1024 : i32
        %dma_start3A_68 = tpu.memref_slice %arg6[%dma_start3A_67] : memref<16384xi32, #tpu.memory_space<vmem>> -> memref<512xi32, #tpu.memory_space<vmem>>
        %dma_start3A_69 = arith.constant 0 : i32
        %dma_start3A_70 = arith.constant 0 : i32
        %dma_start3A_71 = tpu.memref_slice %arg3[%dma_start3A_69, %dma_start3A_70] : memref<1000000x32xf32, #tpu.memory_space<hbm>> -> memref<1000000x32xf32, #tpu.memory_space<hbm>>
        tpu.enqueue_indirect_dma source(%dma_start3A_71 : memref<1000000x32xf32, #tpu.memory_space<hbm>>) target(%arg9 : memref<512x32xf32, #tpu.memory_space<vmem>>) offsets(%dma_start3A_68 : memref<512xi32, #tpu.memory_space<vmem>>) semaphore(%arg15 : memref<!tpu.dma_semaphore, #tpu.memory_space<semaphore_mem>>)
        %dma_start3A_72 = arith.constant 1536 : i32
        %dma_start3A_73 = tpu.memref_slice %arg6[%dma_start3A_72] : memref<16384xi32, #tpu.memory_space<vmem>> -> memref<512xi32, #tpu.memory_space<vmem>>
        %dma_start3A_74 = arith.constant 0 : i32
        %dma_start3A_75 = arith.constant 0 : i32
        %dma_start3A_76 = tpu.memref_slice %arg3[%dma_start3A_74, %dma_start3A_75] : memref<1000000x32xf32, #tpu.memory_space<hbm>> -> memref<1000000x32xf32, #tpu.memory_space<hbm>>
        tpu.enqueue_indirect_dma source(%dma_start3A_76 : memref<1000000x32xf32, #tpu.memory_space<hbm>>) target(%arg10 : memref<512x32xf32, #tpu.memory_space<vmem>>) offsets(%dma_start3A_73 : memref<512xi32, #tpu.memory_space<vmem>>) semaphore(%arg16 : memref<!tpu.dma_semaphore, #tpu.memory_space<semaphore_mem>>)
        %scan3A_77 = arith.constant 4 : i32
        %scan3A_78 = arith.constant 1 : i32
        %scan3A_79 = arith.constant 7 : i32
        %scan3A_80 = arith.addi %scan3A_78, %scan3A_79 : i32
        %scan3A_81 = arith.constant 1 : i32
        %scan3A_82 = scf.for %scan3A_136 = %scan3A_78 to %scan3A_80 step %scan3A_81 iter_args(%scan3A_137 = %scan3A_77) -> (i32)  : i32 {
          %dma_wait3A_138 = arith.constant 0 : i32
          %dma_wait3A_139 = tpu.memref_slice %arg6[%dma_wait3A_138] : memref<16384xi32, #tpu.memory_space<vmem>> -> memref<512xi32, #tpu.memory_space<vmem>>
          %dma_wait3A_140 = arith.constant 0 : i32
          %dma_wait3A_141 = arith.constant 0 : i32
          %dma_wait3A_142 = tpu.memref_slice %arg3[%dma_wait3A_140, %dma_wait3A_141] : memref<1000000x32xf32, #tpu.memory_space<hbm>> -> memref<1000000x32xf32, #tpu.memory_space<hbm>>
          tpu.wait_indirect_dma semaphore(%arg13 : memref<!tpu.dma_semaphore, #tpu.memory_space<semaphore_mem>>) src(%dma_wait3A_142 : memref<1000000x32xf32, #tpu.memory_space<hbm>>) dst(%arg7 : memref<512x32xf32, #tpu.memory_space<vmem>>)
          %add3A_143 = arith.constant 0 : i32
          %add3A_144 = arith.addi %scan3A_137, %add3A_143 : i32
          %mul3A_145 = arith.constant 512 : i32
          %mul3A_146 = arith.muli %add3A_144, %mul3A_145 : i32
          %dma_start3A_147 = tpu.memref_slice %arg6[%mul3A_146] : memref<16384xi32, #tpu.memory_space<vmem>> -> memref<512xi32, #tpu.memory_space<vmem>>
          %dma_start3A_148 = arith.constant 0 : i32
          %dma_start3A_149 = arith.constant 0 : i32
          %dma_start3A_150 = tpu.memref_slice %arg3[%dma_start3A_148, %dma_start3A_149] : memref<1000000x32xf32, #tpu.memory_space<hbm>> -> memref<1000000x32xf32, #tpu.memory_space<hbm>>
          tpu.enqueue_indirect_dma source(%dma_start3A_150 : memref<1000000x32xf32, #tpu.memory_space<hbm>>) target(%arg7 : memref<512x32xf32, #tpu.memory_space<vmem>>) offsets(%dma_start3A_147 : memref<512xi32, #tpu.memory_space<vmem>>) semaphore(%arg13 : memref<!tpu.dma_semaphore, #tpu.memory_space<semaphore_mem>>) {add = true}
          %dma_wait3A_151 = arith.constant 0 : i32
          %dma_wait3A_152 = tpu.memref_slice %arg6[%dma_wait3A_151] : memref<16384xi32, #tpu.memory_space<vmem>> -> memref<512xi32, #tpu.memory_space<vmem>>
          %dma_wait3A_153 = arith.constant 0 : i32
          %dma_wait3A_154 = arith.constant 0 : i32
          %dma_wait3A_155 = tpu.memref_slice %arg3[%dma_wait3A_153, %dma_wait3A_154] : memref<1000000x32xf32, #tpu.memory_space<hbm>> -> memref<1000000x32xf32, #tpu.memory_space<hbm>>
          tpu.wait_indirect_dma semaphore(%arg14 : memref<!tpu.dma_semaphore, #tpu.memory_space<semaphore_mem>>) src(%dma_wait3A_155 : memref<1000000x32xf32, #tpu.memory_space<hbm>>) dst(%arg8 : memref<512x32xf32, #tpu.memory_space<vmem>>)
          %add3A_156 = arith.constant 1 : i32
          %add3A_157 = arith.addi %scan3A_137, %add3A_156 : i32
          %mul3A_158 = arith.constant 512 : i32
          %mul3A_159 = arith.muli %add3A_157, %mul3A_158 : i32
          %dma_start3A_160 = tpu.memref_slice %arg6[%mul3A_159] : memref<16384xi32, #tpu.memory_space<vmem>> -> memref<512xi32, #tpu.memory_space<vmem>>
          %dma_start3A_161 = arith.constant 0 : i32
          %dma_start3A_162 = arith.constant 0 : i32
          %dma_start3A_163 = tpu.memref_slice %arg3[%dma_start3A_161, %dma_start3A_162] : memref<1000000x32xf32, #tpu.memory_space<hbm>> -> memref<1000000x32xf32, #tpu.memory_space<hbm>>
          tpu.enqueue_indirect_dma source(%dma_start3A_163 : memref<1000000x32xf32, #tpu.memory_space<hbm>>) target(%arg8 : memref<512x32xf32, #tpu.memory_space<vmem>>) offsets(%dma_start3A_160 : memref<512xi32, #tpu.memory_space<vmem>>) semaphore(%arg14 : memref<!tpu.dma_semaphore, #tpu.memory_space<semaphore_mem>>) {add = true}
          %dma_wait3A_164 = arith.constant 0 : i32
          %dma_wait3A_165 = tpu.memref_slice %arg6[%dma_wait3A_164] : memref<16384xi32, #tpu.memory_space<vmem>> -> memref<512xi32, #tpu.memory_space<vmem>>
          %dma_wait3A_166 = arith.constant 0 : i32
          %dma_wait3A_167 = arith.constant 0 : i32
          %dma_wait3A_168 = tpu.memref_slice %arg3[%dma_wait3A_166, %dma_wait3A_167] : memref<1000000x32xf32, #tpu.memory_space<hbm>> -> memref<1000000x32xf32, #tpu.memory_space<hbm>>
          tpu.wait_indirect_dma semaphore(%arg15 : memref<!tpu.dma_semaphore, #tpu.memory_space<semaphore_mem>>) src(%dma_wait3A_168 : memref<1000000x32xf32, #tpu.memory_space<hbm>>) dst(%arg9 : memref<512x32xf32, #tpu.memory_space<vmem>>)
          %add3A_169 = arith.constant 2 : i32
          %add3A_170 = arith.addi %scan3A_137, %add3A_169 : i32
          %mul3A_171 = arith.constant 512 : i32
          %mul3A_172 = arith.muli %add3A_170, %mul3A_171 : i32
          %dma_start3A_173 = tpu.memref_slice %arg6[%mul3A_172] : memref<16384xi32, #tpu.memory_space<vmem>> -> memref<512xi32, #tpu.memory_space<vmem>>
          %dma_start3A_174 = arith.constant 0 : i32
          %dma_start3A_175 = arith.constant 0 : i32
          %dma_start3A_176 = tpu.memref_slice %arg3[%dma_start3A_174, %dma_start3A_175] : memref<1000000x32xf32, #tpu.memory_space<hbm>> -> memref<1000000x32xf32, #tpu.memory_space<hbm>>
          tpu.enqueue_indirect_dma source(%dma_start3A_176 : memref<1000000x32xf32, #tpu.memory_space<hbm>>) target(%arg9 : memref<512x32xf32, #tpu.memory_space<vmem>>) offsets(%dma_start3A_173 : memref<512xi32, #tpu.memory_space<vmem>>) semaphore(%arg15 : memref<!tpu.dma_semaphore, #tpu.memory_space<semaphore_mem>>) {add = true}
          %dma_wait3A_177 = arith.constant 0 : i32
          %dma_wait3A_178 = tpu.memref_slice %arg6[%dma_wait3A_177] : memref<16384xi32, #tpu.memory_space<vmem>> -> memref<512xi32, #tpu.memory_space<vmem>>
          %dma_wait3A_179 = arith.constant 0 : i32
          %dma_wait3A_180 = arith.constant 0 : i32
          %dma_wait3A_181 = tpu.memref_slice %arg3[%dma_wait3A_179, %dma_wait3A_180] : memref<1000000x32xf32, #tpu.memory_space<hbm>> -> memref<1000000x32xf32, #tpu.memory_space<hbm>>
          tpu.wait_indirect_dma semaphore(%arg16 : memref<!tpu.dma_semaphore, #tpu.memory_space<semaphore_mem>>) src(%dma_wait3A_181 : memref<1000000x32xf32, #tpu.memory_space<hbm>>) dst(%arg10 : memref<512x32xf32, #tpu.memory_space<vmem>>)
          %add3A_182 = arith.constant 3 : i32
          %add3A_183 = arith.addi %scan3A_137, %add3A_182 : i32
          %mul3A_184 = arith.constant 512 : i32
          %mul3A_185 = arith.muli %add3A_183, %mul3A_184 : i32
          %dma_start3A_186 = tpu.memref_slice %arg6[%mul3A_185] : memref<16384xi32, #tpu.memory_space<vmem>> -> memref<512xi32, #tpu.memory_space<vmem>>
          %dma_start3A_187 = arith.constant 0 : i32
          %dma_start3A_188 = arith.constant 0 : i32
          %dma_start3A_189 = tpu.memref_slice %arg3[%dma_start3A_187, %dma_start3A_188] : memref<1000000x32xf32, #tpu.memory_space<hbm>> -> memref<1000000x32xf32, #tpu.memory_space<hbm>>
          tpu.enqueue_indirect_dma source(%dma_start3A_189 : memref<1000000x32xf32, #tpu.memory_space<hbm>>) target(%arg10 : memref<512x32xf32, #tpu.memory_space<vmem>>) offsets(%dma_start3A_186 : memref<512xi32, #tpu.memory_space<vmem>>) semaphore(%arg16 : memref<!tpu.dma_semaphore, #tpu.memory_space<semaphore_mem>>) {add = true}
          %add3A_190 = arith.constant 4 : i32
          %add3A_191 = arith.addi %scan3A_137, %add3A_190 : i32
          scf.yield %add3A_191 : i32
        }
        %scan3A_83 = arith.constant 7 : i32
        %broadcast_in_dim3A = arith.constant 0.000000e+00 : f32
        %broadcast_in_dim3A_84 = vector.broadcast %broadcast_in_dim3A : f32 to vector<16xf32>
        %dma_wait3A_85 = arith.constant 0 : i32
        %dma_wait3A_86 = tpu.memref_slice %arg6[%dma_wait3A_85] : memref<16384xi32, #tpu.memory_space<vmem>> -> memref<512xi32, #tpu.memory_space<vmem>>
        %dma_wait3A_87 = arith.constant 0 : i32
        %dma_wait3A_88 = arith.constant 0 : i32
        %dma_wait3A_89 = tpu.memref_slice %arg3[%dma_wait3A_87, %dma_wait3A_88] : memref<1000000x32xf32, #tpu.memory_space<hbm>> -> memref<1000000x32xf32, #tpu.memory_space<hbm>>
        tpu.wait_indirect_dma semaphore(%arg13 : memref<!tpu.dma_semaphore, #tpu.memory_space<semaphore_mem>>) src(%dma_wait3A_89 : memref<1000000x32xf32, #tpu.memory_space<hbm>>) dst(%arg7 : memref<512x32xf32, #tpu.memory_space<vmem>>)
        %scan3A_90 = arith.constant 0 : i32
        %scan3A_91 = arith.constant 512 : i32
        %scan3A_92 = arith.addi %scan3A_90, %scan3A_91 : i32
        %scan3A_93 = arith.constant 8 : i32
        %scan3A_94:2 = scf.for %scan3A_136 = %scan3A_90 to %scan3A_92 step %scan3A_93 iter_args(%scan3A_137 = %broadcast_in_dim3A_84, %scan3A_138 = %broadcast_in_dim3A_84) -> (vector<16xf32>, vector<16xf32>)  : i32 {
          %get3A = arith.index_cast %scan3A_136 : i32 to index
          %get3A_139 = arith.constant 0 : index
          %get3A_140 = tpu.vector_load %arg7[%get3A, %get3A_139] {strides = array<i32>} : memref<512x32xf32, #tpu.memory_space<vmem>>, vector<1x16xf32>,
          %get3A_141 = vector.shape_cast %get3A_140 : vector<1x16xf32> to vector<16xf32>
          %add3A_142 = arith.addf %scan3A_137, %get3A_141 : vector<16xf32>
          %get3A_143 = arith.index_cast %scan3A_136 : i32 to index
          %get3A_144 = arith.constant 16 : index
          %get3A_145 = tpu.vector_load %arg7[%get3A_143, %get3A_144] {strides = array<i32>} : memref<512x32xf32, #tpu.memory_space<vmem>>, vector<1x16xf32>,
          %get3A_146 = vector.shape_cast %get3A_145 : vector<1x16xf32> to vector<16xf32>
          %add3A_147 = arith.addf %scan3A_138, %get3A_146 : vector<16xf32>
          %scan3A_148 = arith.constant 1 : i32
          %scan3A_149 = arith.addi %scan3A_136, %scan3A_148 : i32
          %get3A_150 = arith.index_cast %scan3A_149 : i32 to index
          %get3A_151 = arith.constant 0 : index
          %get3A_152 = tpu.vector_load %arg7[%get3A_150, %get3A_151] {strides = array<i32>} : memref<512x32xf32, #tpu.memory_space<vmem>>, vector<1x16xf32>,
          %get3A_153 = vector.shape_cast %get3A_152 : vector<1x16xf32> to vector<16xf32>
          %add3A_154 = arith.addf %add3A_142, %get3A_153 : vector<16xf32>
          %get3A_155 = arith.index_cast %scan3A_149 : i32 to index
          %get3A_156 = arith.constant 16 : index
          %get3A_157 = tpu.vector_load %arg7[%get3A_155, %get3A_156] {strides = array<i32>} : memref<512x32xf32, #tpu.memory_space<vmem>>, vector<1x16xf32>,
          %get3A_158 = vector.shape_cast %get3A_157 : vector<1x16xf32> to vector<16xf32>
          %add3A_159 = arith.addf %add3A_147, %get3A_158 : vector<16xf32>
          %scan3A_160 = arith.constant 2 : i32
          %scan3A_161 = arith.addi %scan3A_136, %scan3A_160 : i32
          %get3A_162 = arith.index_cast %scan3A_161 : i32 to index
          %get3A_163 = arith.constant 0 : index
          %get3A_164 = tpu.vector_load %arg7[%get3A_162, %get3A_163] {strides = array<i32>} : memref<512x32xf32, #tpu.memory_space<vmem>>, vector<1x16xf32>,
          %get3A_165 = vector.shape_cast %get3A_164 : vector<1x16xf32> to vector<16xf32>
          %add3A_166 = arith.addf %add3A_154, %get3A_165 : vector<16xf32>
          %get3A_167 = arith.index_cast %scan3A_161 : i32 to index
          %get3A_168 = arith.constant 16 : index
          %get3A_169 = tpu.vector_load %arg7[%get3A_167, %get3A_168] {strides = array<i32>} : memref<512x32xf32, #tpu.memory_space<vmem>>, vector<1x16xf32>,
          %get3A_170 = vector.shape_cast %get3A_169 : vector<1x16xf32> to vector<16xf32>
          %add3A_171 = arith.addf %add3A_159, %get3A_170 : vector<16xf32>
          %scan3A_172 = arith.constant 3 : i32
          %scan3A_173 = arith.addi %scan3A_136, %scan3A_172 : i32
          %get3A_174 = arith.index_cast %scan3A_173 : i32 to index
          %get3A_175 = arith.constant 0 : index
          %get3A_176 = tpu.vector_load %arg7[%get3A_174, %get3A_175] {strides = array<i32>} : memref<512x32xf32, #tpu.memory_space<vmem>>, vector<1x16xf32>,
          %get3A_177 = vector.shape_cast %get3A_176 : vector<1x16xf32> to vector<16xf32>
          %add3A_178 = arith.addf %add3A_166, %get3A_177 : vector<16xf32>
          %get3A_179 = arith.index_cast %scan3A_173 : i32 to index
          %get3A_180 = arith.constant 16 : index
          %get3A_181 = tpu.vector_load %arg7[%get3A_179, %get3A_180] {strides = array<i32>} : memref<512x32xf32, #tpu.memory_space<vmem>>, vector<1x16xf32>,
          %get3A_182 = vector.shape_cast %get3A_181 : vector<1x16xf32> to vector<16xf32>
          %add3A_183 = arith.addf %add3A_171, %get3A_182 : vector<16xf32>
          %scan3A_184 = arith.constant 4 : i32
          %scan3A_185 = arith.addi %scan3A_136, %scan3A_184 : i32
          %get3A_186 = arith.index_cast %scan3A_185 : i32 to index
          %get3A_187 = arith.constant 0 : index
          %get3A_188 = tpu.vector_load %arg7[%get3A_186, %get3A_187] {strides = array<i32>} : memref<512x32xf32, #tpu.memory_space<vmem>>, vector<1x16xf32>,
          %get3A_189 = vector.shape_cast %get3A_188 : vector<1x16xf32> to vector<16xf32>
          %add3A_190 = arith.addf %add3A_178, %get3A_189 : vector<16xf32>
          %get3A_191 = arith.index_cast %scan3A_185 : i32 to index
          %get3A_192 = arith.constant 16 : index
          %get3A_193 = tpu.vector_load %arg7[%get3A_191, %get3A_192] {strides = array<i32>} : memref<512x32xf32, #tpu.memory_space<vmem>>, vector<1x16xf32>,
          %get3A_194 = vector.shape_cast %get3A_193 : vector<1x16xf32> to vector<16xf32>
          %add3A_195 = arith.addf %add3A_183, %get3A_194 : vector<16xf32>
          %scan3A_196 = arith.constant 5 : i32
          %scan3A_197 = arith.addi %scan3A_136, %scan3A_196 : i32
          %get3A_198 = arith.index_cast %scan3A_197 : i32 to index
          %get3A_199 = arith.constant 0 : index
          %get3A_200 = tpu.vector_load %arg7[%get3A_198, %get3A_199] {strides = array<i32>} : memref<512x32xf32, #tpu.memory_space<vmem>>, vector<1x16xf32>,
          %get3A_201 = vector.shape_cast %get3A_200 : vector<1x16xf32> to vector<16xf32>
          %add3A_202 = arith.addf %add3A_190, %get3A_201 : vector<16xf32>
          %get3A_203 = arith.index_cast %scan3A_197 : i32 to index
          %get3A_204 = arith.constant 16 : index
          %get3A_205 = tpu.vector_load %arg7[%get3A_203, %get3A_204] {strides = array<i32>} : memref<512x32xf32, #tpu.memory_space<vmem>>, vector<1x16xf32>,
          %get3A_206 = vector.shape_cast %get3A_205 : vector<1x16xf32> to vector<16xf32>
          %add3A_207 = arith.addf %add3A_195, %get3A_206 : vector<16xf32>
          %scan3A_208 = arith.constant 6 : i32
          %scan3A_209 = arith.addi %scan3A_136, %scan3A_208 : i32
          %get3A_210 = arith.index_cast %scan3A_209 : i32 to index
          %get3A_211 = arith.constant 0 : index
          %get3A_212 = tpu.vector_load %arg7[%get3A_210, %get3A_211] {strides = array<i32>} : memref<512x32xf32, #tpu.memory_space<vmem>>, vector<1x16xf32>,
          %get3A_213 = vector.shape_cast %get3A_212 : vector<1x16xf32> to vector<16xf32>
          %add3A_214 = arith.addf %add3A_202, %get3A_213 : vector<16xf32>
          %get3A_215 = arith.index_cast %scan3A_209 : i32 to index
          %get3A_216 = arith.constant 16 : index
          %get3A_217 = tpu.vector_load %arg7[%get3A_215, %get3A_216] {strides = array<i32>} : memref<512x32xf32, #tpu.memory_space<vmem>>, vector<1x16xf32>,
          %get3A_218 = vector.shape_cast %get3A_217 : vector<1x16xf32> to vector<16xf32>
          %add3A_219 = arith.addf %add3A_207, %get3A_218 : vector<16xf32>
          %scan3A_220 = arith.constant 7 : i32
          %scan3A_221 = arith.addi %scan3A_136, %scan3A_220 : i32
          %get3A_222 = arith.index_cast %scan3A_221 : i32 to index
          %get3A_223 = arith.constant 0 : index
          %get3A_224 = tpu.vector_load %arg7[%get3A_222, %get3A_223] {strides = array<i32>} : memref<512x32xf32, #tpu.memory_space<vmem>>, vector<1x16xf32>,
          %get3A_225 = vector.shape_cast %get3A_224 : vector<1x16xf32> to vector<16xf32>
          %add3A_226 = arith.addf %add3A_214, %get3A_225 : vector<16xf32>
          %get3A_227 = arith.index_cast %scan3A_221 : i32 to index
          %get3A_228 = arith.constant 16 : index
          %get3A_229 = tpu.vector_load %arg7[%get3A_227, %get3A_228] {strides = array<i32>} : memref<512x32xf32, #tpu.memory_space<vmem>>, vector<1x16xf32>,
          %get3A_230 = vector.shape_cast %get3A_229 : vector<1x16xf32> to vector<16xf32>
          %add3A_231 = arith.addf %add3A_219, %get3A_230 : vector<16xf32>
          scf.yield %add3A_226, %add3A_231 : vector<16xf32>, vector<16xf32>
        }
        %scan3A_95 = arith.constant 512 : i32
        %dma_wait3A_96 = arith.constant 0 : i32
        %dma_wait3A_97 = tpu.memref_slice %arg6[%dma_wait3A_96] : memref<16384xi32, #tpu.memory_space<vmem>> -> memref<512xi32, #tpu.memory_space<vmem>>
        %dma_wait3A_98 = arith.constant 0 : i32
        %dma_wait3A_99 = arith.constant 0 : i32
        %dma_wait3A_100 = tpu.memref_slice %arg3[%dma_wait3A_98, %dma_wait3A_99] : memref<1000000x32xf32, #tpu.memory_space<hbm>> -> memref<1000000x32xf32, #tpu.memory_space<hbm>>
        tpu.wait_indirect_dma semaphore(%arg14 : memref<!tpu.dma_semaphore, #tpu.memory_space<semaphore_mem>>) src(%dma_wait3A_100 : memref<1000000x32xf32, #tpu.memory_space<hbm>>) dst(%arg8 : memref<512x32xf32, #tpu.memory_space<vmem>>)
        %scan3A_101 = arith.constant 0 : i32
        %scan3A_102 = arith.constant 512 : i32
        %scan3A_103 = arith.addi %scan3A_101, %scan3A_102 : i32
        %scan3A_104 = arith.constant 8 : i32
        %scan3A_105:2 = scf.for %scan3A_136 = %scan3A_101 to %scan3A_103 step %scan3A_104 iter_args(%scan3A_137 = %scan3A_94#0, %scan3A_138 = %scan3A_94#1) -> (vector<16xf32>, vector<16xf32>)  : i32 {
          %get3A = arith.index_cast %scan3A_136 : i32 to index
          %get3A_139 = arith.constant 0 : index
          %get3A_140 = tpu.vector_load %arg8[%get3A, %get3A_139] {strides = array<i32>} : memref<512x32xf32, #tpu.memory_space<vmem>>, vector<1x16xf32>,
          %get3A_141 = vector.shape_cast %get3A_140 : vector<1x16xf32> to vector<16xf32>
          %add3A_142 = arith.addf %scan3A_137, %get3A_141 : vector<16xf32>
          %get3A_143 = arith.index_cast %scan3A_136 : i32 to index
          %get3A_144 = arith.constant 16 : index
          %get3A_145 = tpu.vector_load %arg8[%get3A_143, %get3A_144] {strides = array<i32>} : memref<512x32xf32, #tpu.memory_space<vmem>>, vector<1x16xf32>,
          %get3A_146 = vector.shape_cast %get3A_145 : vector<1x16xf32> to vector<16xf32>
          %add3A_147 = arith.addf %scan3A_138, %get3A_146 : vector<16xf32>
          %scan3A_148 = arith.constant 1 : i32
          %scan3A_149 = arith.addi %scan3A_136, %scan3A_148 : i32
          %get3A_150 = arith.index_cast %scan3A_149 : i32 to index
          %get3A_151 = arith.constant 0 : index
          %get3A_152 = tpu.vector_load %arg8[%get3A_150, %get3A_151] {strides = array<i32>} : memref<512x32xf32, #tpu.memory_space<vmem>>, vector<1x16xf32>,
          %get3A_153 = vector.shape_cast %get3A_152 : vector<1x16xf32> to vector<16xf32>
          %add3A_154 = arith.addf %add3A_142, %get3A_153 : vector<16xf32>
          %get3A_155 = arith.index_cast %scan3A_149 : i32 to index
          %get3A_156 = arith.constant 16 : index
          %get3A_157 = tpu.vector_load %arg8[%get3A_155, %get3A_156] {strides = array<i32>} : memref<512x32xf32, #tpu.memory_space<vmem>>, vector<1x16xf32>,
          %get3A_158 = vector.shape_cast %get3A_157 : vector<1x16xf32> to vector<16xf32>
          %add3A_159 = arith.addf %add3A_147, %get3A_158 : vector<16xf32>
          %scan3A_160 = arith.constant 2 : i32
          %scan3A_161 = arith.addi %scan3A_136, %scan3A_160 : i32
          %get3A_162 = arith.index_cast %scan3A_161 : i32 to index
          %get3A_163 = arith.constant 0 : index
          %get3A_164 = tpu.vector_load %arg8[%get3A_162, %get3A_163] {strides = array<i32>} : memref<512x32xf32, #tpu.memory_space<vmem>>, vector<1x16xf32>,
          %get3A_165 = vector.shape_cast %get3A_164 : vector<1x16xf32> to vector<16xf32>
          %add3A_166 = arith.addf %add3A_154, %get3A_165 : vector<16xf32>
          %get3A_167 = arith.index_cast %scan3A_161 : i32 to index
          %get3A_168 = arith.constant 16 : index
          %get3A_169 = tpu.vector_load %arg8[%get3A_167, %get3A_168] {strides = array<i32>} : memref<512x32xf32, #tpu.memory_space<vmem>>, vector<1x16xf32>,
          %get3A_170 = vector.shape_cast %get3A_169 : vector<1x16xf32> to vector<16xf32>
          %add3A_171 = arith.addf %add3A_159, %get3A_170 : vector<16xf32>
          %scan3A_172 = arith.constant 3 : i32
          %scan3A_173 = arith.addi %scan3A_136, %scan3A_172 : i32
          %get3A_174 = arith.index_cast %scan3A_173 : i32 to index
          %get3A_175 = arith.constant 0 : index
          %get3A_176 = tpu.vector_load %arg8[%get3A_174, %get3A_175] {strides = array<i32>} : memref<512x32xf32, #tpu.memory_space<vmem>>, vector<1x16xf32>,
          %get3A_177 = vector.shape_cast %get3A_176 : vector<1x16xf32> to vector<16xf32>
          %add3A_178 = arith.addf %add3A_166, %get3A_177 : vector<16xf32>
          %get3A_179 = arith.index_cast %scan3A_173 : i32 to index
          %get3A_180 = arith.constant 16 : index
          %get3A_181 = tpu.vector_load %arg8[%get3A_179, %get3A_180] {strides = array<i32>} : memref<512x32xf32, #tpu.memory_space<vmem>>, vector<1x16xf32>,
          %get3A_182 = vector.shape_cast %get3A_181 : vector<1x16xf32> to vector<16xf32>
          %add3A_183 = arith.addf %add3A_171, %get3A_182 : vector<16xf32>
          %scan3A_184 = arith.constant 4 : i32
          %scan3A_185 = arith.addi %scan3A_136, %scan3A_184 : i32
          %get3A_186 = arith.index_cast %scan3A_185 : i32 to index
          %get3A_187 = arith.constant 0 : index
          %get3A_188 = tpu.vector_load %arg8[%get3A_186, %get3A_187] {strides = array<i32>} : memref<512x32xf32, #tpu.memory_space<vmem>>, vector<1x16xf32>,
          %get3A_189 = vector.shape_cast %get3A_188 : vector<1x16xf32> to vector<16xf32>
          %add3A_190 = arith.addf %add3A_178, %get3A_189 : vector<16xf32>
          %get3A_191 = arith.index_cast %scan3A_185 : i32 to index
          %get3A_192 = arith.constant 16 : index
          %get3A_193 = tpu.vector_load %arg8[%get3A_191, %get3A_192] {strides = array<i32>} : memref<512x32xf32, #tpu.memory_space<vmem>>, vector<1x16xf32>,
          %get3A_194 = vector.shape_cast %get3A_193 : vector<1x16xf32> to vector<16xf32>
          %add3A_195 = arith.addf %add3A_183, %get3A_194 : vector<16xf32>
          %scan3A_196 = arith.constant 5 : i32
          %scan3A_197 = arith.addi %scan3A_136, %scan3A_196 : i32
          %get3A_198 = arith.index_cast %scan3A_197 : i32 to index
          %get3A_199 = arith.constant 0 : index
          %get3A_200 = tpu.vector_load %arg8[%get3A_198, %get3A_199] {strides = array<i32>} : memref<512x32xf32, #tpu.memory_space<vmem>>, vector<1x16xf32>,
          %get3A_201 = vector.shape_cast %get3A_200 : vector<1x16xf32> to vector<16xf32>
          %add3A_202 = arith.addf %add3A_190, %get3A_201 : vector<16xf32>
          %get3A_203 = arith.index_cast %scan3A_197 : i32 to index
          %get3A_204 = arith.constant 16 : index
          %get3A_205 = tpu.vector_load %arg8[%get3A_203, %get3A_204] {strides = array<i32>} : memref<512x32xf32, #tpu.memory_space<vmem>>, vector<1x16xf32>,
          %get3A_206 = vector.shape_cast %get3A_205 : vector<1x16xf32> to vector<16xf32>
          %add3A_207 = arith.addf %add3A_195, %get3A_206 : vector<16xf32>
          %scan3A_208 = arith.constant 6 : i32
          %scan3A_209 = arith.addi %scan3A_136, %scan3A_208 : i32
          %get3A_210 = arith.index_cast %scan3A_209 : i32 to index
          %get3A_211 = arith.constant 0 : index
          %get3A_212 = tpu.vector_load %arg8[%get3A_210, %get3A_211] {strides = array<i32>} : memref<512x32xf32, #tpu.memory_space<vmem>>, vector<1x16xf32>,
          %get3A_213 = vector.shape_cast %get3A_212 : vector<1x16xf32> to vector<16xf32>
          %add3A_214 = arith.addf %add3A_202, %get3A_213 : vector<16xf32>
          %get3A_215 = arith.index_cast %scan3A_209 : i32 to index
          %get3A_216 = arith.constant 16 : index
          %get3A_217 = tpu.vector_load %arg8[%get3A_215, %get3A_216] {strides = array<i32>} : memref<512x32xf32, #tpu.memory_space<vmem>>, vector<1x16xf32>,
          %get3A_218 = vector.shape_cast %get3A_217 : vector<1x16xf32> to vector<16xf32>
          %add3A_219 = arith.addf %add3A_207, %get3A_218 : vector<16xf32>
          %scan3A_220 = arith.constant 7 : i32
          %scan3A_221 = arith.addi %scan3A_136, %scan3A_220 : i32
          %get3A_222 = arith.index_cast %scan3A_221 : i32 to index
          %get3A_223 = arith.constant 0 : index
          %get3A_224 = tpu.vector_load %arg8[%get3A_222, %get3A_223] {strides = array<i32>} : memref<512x32xf32, #tpu.memory_space<vmem>>, vector<1x16xf32>,
          %get3A_225 = vector.shape_cast %get3A_224 : vector<1x16xf32> to vector<16xf32>
          %add3A_226 = arith.addf %add3A_214, %get3A_225 : vector<16xf32>
          %get3A_227 = arith.index_cast %scan3A_221 : i32 to index
          %get3A_228 = arith.constant 16 : index
          %get3A_229 = tpu.vector_load %arg8[%get3A_227, %get3A_228] {strides = array<i32>} : memref<512x32xf32, #tpu.memory_space<vmem>>, vector<1x16xf32>,
          %get3A_230 = vector.shape_cast %get3A_229 : vector<1x16xf32> to vector<16xf32>
          %add3A_231 = arith.addf %add3A_219, %get3A_230 : vector<16xf32>
          scf.yield %add3A_226, %add3A_231 : vector<16xf32>, vector<16xf32>
        }
        %scan3A_106 = arith.constant 512 : i32
        %dma_wait3A_107 = arith.constant 0 : i32
        %dma_wait3A_108 = tpu.memref_slice %arg6[%dma_wait3A_107] : memref<16384xi32, #tpu.memory_space<vmem>> -> memref<512xi32, #tpu.memory_space<vmem>>
        %dma_wait3A_109 = arith.constant 0 : i32
        %dma_wait3A_110 = arith.constant 0 : i32
        %dma_wait3A_111 = tpu.memref_slice %arg3[%dma_wait3A_109, %dma_wait3A_110] : memref<1000000x32xf32, #tpu.memory_space<hbm>> -> memref<1000000x32xf32, #tpu.memory_space<hbm>>
        tpu.wait_indirect_dma semaphore(%arg15 : memref<!tpu.dma_semaphore, #tpu.memory_space<semaphore_mem>>) src(%dma_wait3A_111 : memref<1000000x32xf32, #tpu.memory_space<hbm>>) dst(%arg9 : memref<512x32xf32, #tpu.memory_space<vmem>>)
        %scan3A_112 = arith.constant 0 : i32
        %scan3A_113 = arith.constant 512 : i32
        %scan3A_114 = arith.addi %scan3A_112, %scan3A_113 : i32
        %scan3A_115 = arith.constant 8 : i32
        %scan3A_116:2 = scf.for %scan3A_136 = %scan3A_112 to %scan3A_114 step %scan3A_115 iter_args(%scan3A_137 = %scan3A_105#0, %scan3A_138 = %scan3A_105#1) -> (vector<16xf32>, vector<16xf32>)  : i32 {
          %get3A = arith.index_cast %scan3A_136 : i32 to index
          %get3A_139 = arith.constant 0 : index
          %get3A_140 = tpu.vector_load %arg9[%get3A, %get3A_139] {strides = array<i32>} : memref<512x32xf32, #tpu.memory_space<vmem>>, vector<1x16xf32>,
          %get3A_141 = vector.shape_cast %get3A_140 : vector<1x16xf32> to vector<16xf32>
          %add3A_142 = arith.addf %scan3A_137, %get3A_141 : vector<16xf32>
          %get3A_143 = arith.index_cast %scan3A_136 : i32 to index
          %get3A_144 = arith.constant 16 : index
          %get3A_145 = tpu.vector_load %arg9[%get3A_143, %get3A_144] {strides = array<i32>} : memref<512x32xf32, #tpu.memory_space<vmem>>, vector<1x16xf32>,
          %get3A_146 = vector.shape_cast %get3A_145 : vector<1x16xf32> to vector<16xf32>
          %add3A_147 = arith.addf %scan3A_138, %get3A_146 : vector<16xf32>
          %scan3A_148 = arith.constant 1 : i32
          %scan3A_149 = arith.addi %scan3A_136, %scan3A_148 : i32
          %get3A_150 = arith.index_cast %scan3A_149 : i32 to index
          %get3A_151 = arith.constant 0 : index
          %get3A_152 = tpu.vector_load %arg9[%get3A_150, %get3A_151] {strides = array<i32>} : memref<512x32xf32, #tpu.memory_space<vmem>>, vector<1x16xf32>,
          %get3A_153 = vector.shape_cast %get3A_152 : vector<1x16xf32> to vector<16xf32>
          %add3A_154 = arith.addf %add3A_142, %get3A_153 : vector<16xf32>
          %get3A_155 = arith.index_cast %scan3A_149 : i32 to index
          %get3A_156 = arith.constant 16 : index
          %get3A_157 = tpu.vector_load %arg9[%get3A_155, %get3A_156] {strides = array<i32>} : memref<512x32xf32, #tpu.memory_space<vmem>>, vector<1x16xf32>,
          %get3A_158 = vector.shape_cast %get3A_157 : vector<1x16xf32> to vector<16xf32>
          %add3A_159 = arith.addf %add3A_147, %get3A_158 : vector<16xf32>
          %scan3A_160 = arith.constant 2 : i32
          %scan3A_161 = arith.addi %scan3A_136, %scan3A_160 : i32
          %get3A_162 = arith.index_cast %scan3A_161 : i32 to index
          %get3A_163 = arith.constant 0 : index
          %get3A_164 = tpu.vector_load %arg9[%get3A_162, %get3A_163] {strides = array<i32>} : memref<512x32xf32, #tpu.memory_space<vmem>>, vector<1x16xf32>,
          %get3A_165 = vector.shape_cast %get3A_164 : vector<1x16xf32> to vector<16xf32>
          %add3A_166 = arith.addf %add3A_154, %get3A_165 : vector<16xf32>
          %get3A_167 = arith.index_cast %scan3A_161 : i32 to index
          %get3A_168 = arith.constant 16 : index
          %get3A_169 = tpu.vector_load %arg9[%get3A_167, %get3A_168] {strides = array<i32>} : memref<512x32xf32, #tpu.memory_space<vmem>>, vector<1x16xf32>,
          %get3A_170 = vector.shape_cast %get3A_169 : vector<1x16xf32> to vector<16xf32>
          %add3A_171 = arith.addf %add3A_159, %get3A_170 : vector<16xf32>
          %scan3A_172 = arith.constant 3 : i32
          %scan3A_173 = arith.addi %scan3A_136, %scan3A_172 : i32
          %get3A_174 = arith.index_cast %scan3A_173 : i32 to index
          %get3A_175 = arith.constant 0 : index
          %get3A_176 = tpu.vector_load %arg9[%get3A_174, %get3A_175] {strides = array<i32>} : memref<512x32xf32, #tpu.memory_space<vmem>>, vector<1x16xf32>,
          %get3A_177 = vector.shape_cast %get3A_176 : vector<1x16xf32> to vector<16xf32>
          %add3A_178 = arith.addf %add3A_166, %get3A_177 : vector<16xf32>
          %get3A_179 = arith.index_cast %scan3A_173 : i32 to index
          %get3A_180 = arith.constant 16 : index
          %get3A_181 = tpu.vector_load %arg9[%get3A_179, %get3A_180] {strides = array<i32>} : memref<512x32xf32, #tpu.memory_space<vmem>>, vector<1x16xf32>,
          %get3A_182 = vector.shape_cast %get3A_181 : vector<1x16xf32> to vector<16xf32>
          %add3A_183 = arith.addf %add3A_171, %get3A_182 : vector<16xf32>
          %scan3A_184 = arith.constant 4 : i32
          %scan3A_185 = arith.addi %scan3A_136, %scan3A_184 : i32
          %get3A_186 = arith.index_cast %scan3A_185 : i32 to index
          %get3A_187 = arith.constant 0 : index
          %get3A_188 = tpu.vector_load %arg9[%get3A_186, %get3A_187] {strides = array<i32>} : memref<512x32xf32, #tpu.memory_space<vmem>>, vector<1x16xf32>,
          %get3A_189 = vector.shape_cast %get3A_188 : vector<1x16xf32> to vector<16xf32>
          %add3A_190 = arith.addf %add3A_178, %get3A_189 : vector<16xf32>
          %get3A_191 = arith.index_cast %scan3A_185 : i32 to index
          %get3A_192 = arith.constant 16 : index
          %get3A_193 = tpu.vector_load %arg9[%get3A_191, %get3A_192] {strides = array<i32>} : memref<512x32xf32, #tpu.memory_space<vmem>>, vector<1x16xf32>,
          %get3A_194 = vector.shape_cast %get3A_193 : vector<1x16xf32> to vector<16xf32>
          %add3A_195 = arith.addf %add3A_183, %get3A_194 : vector<16xf32>
          %scan3A_196 = arith.constant 5 : i32
          %scan3A_197 = arith.addi %scan3A_136, %scan3A_196 : i32
          %get3A_198 = arith.index_cast %scan3A_197 : i32 to index
          %get3A_199 = arith.constant 0 : index
          %get3A_200 = tpu.vector_load %arg9[%get3A_198, %get3A_199] {strides = array<i32>} : memref<512x32xf32, #tpu.memory_space<vmem>>, vector<1x16xf32>,
          %get3A_201 = vector.shape_cast %get3A_200 : vector<1x16xf32> to vector<16xf32>
          %add3A_202 = arith.addf %add3A_190, %get3A_201 : vector<16xf32>
          %get3A_203 = arith.index_cast %scan3A_197 : i32 to index
          %get3A_204 = arith.constant 16 : index
          %get3A_205 = tpu.vector_load %arg9[%get3A_203, %get3A_204] {strides = array<i32>} : memref<512x32xf32, #tpu.memory_space<vmem>>, vector<1x16xf32>,
          %get3A_206 = vector.shape_cast %get3A_205 : vector<1x16xf32> to vector<16xf32>
          %add3A_207 = arith.addf %add3A_195, %get3A_206 : vector<16xf32>
          %scan3A_208 = arith.constant 6 : i32
          %scan3A_209 = arith.addi %scan3A_136, %scan3A_208 : i32
          %get3A_210 = arith.index_cast %scan3A_209 : i32 to index
          %get3A_211 = arith.constant 0 : index
          %get3A_212 = tpu.vector_load %arg9[%get3A_210, %get3A_211] {strides = array<i32>} : memref<512x32xf32, #tpu.memory_space<vmem>>, vector<1x16xf32>,
          %get3A_213 = vector.shape_cast %get3A_212 : vector<1x16xf32> to vector<16xf32>
          %add3A_214 = arith.addf %add3A_202, %get3A_213 : vector<16xf32>
          %get3A_215 = arith.index_cast %scan3A_209 : i32 to index
          %get3A_216 = arith.constant 16 : index
          %get3A_217 = tpu.vector_load %arg9[%get3A_215, %get3A_216] {strides = array<i32>} : memref<512x32xf32, #tpu.memory_space<vmem>>, vector<1x16xf32>,
          %get3A_218 = vector.shape_cast %get3A_217 : vector<1x16xf32> to vector<16xf32>
          %add3A_219 = arith.addf %add3A_207, %get3A_218 : vector<16xf32>
          %scan3A_220 = arith.constant 7 : i32
          %scan3A_221 = arith.addi %scan3A_136, %scan3A_220 : i32
          %get3A_222 = arith.index_cast %scan3A_221 : i32 to index
          %get3A_223 = arith.constant 0 : index
          %get3A_224 = tpu.vector_load %arg9[%get3A_222, %get3A_223] {strides = array<i32>} : memref<512x32xf32, #tpu.memory_space<vmem>>, vector<1x16xf32>,
          %get3A_225 = vector.shape_cast %get3A_224 : vector<1x16xf32> to vector<16xf32>
          %add3A_226 = arith.addf %add3A_214, %get3A_225 : vector<16xf32>
          %get3A_227 = arith.index_cast %scan3A_221 : i32 to index
          %get3A_228 = arith.constant 16 : index
          %get3A_229 = tpu.vector_load %arg9[%get3A_227, %get3A_228] {strides = array<i32>} : memref<512x32xf32, #tpu.memory_space<vmem>>, vector<1x16xf32>,
          %get3A_230 = vector.shape_cast %get3A_229 : vector<1x16xf32> to vector<16xf32>
          %add3A_231 = arith.addf %add3A_219, %get3A_230 : vector<16xf32>
          scf.yield %add3A_226, %add3A_231 : vector<16xf32>, vector<16xf32>
        }
        %scan3A_117 = arith.constant 512 : i32
        %dma_wait3A_118 = arith.constant 0 : i32
        %dma_wait3A_119 = tpu.memref_slice %arg6[%dma_wait3A_118] : memref<16384xi32, #tpu.memory_space<vmem>> -> memref<512xi32, #tpu.memory_space<vmem>>
        %dma_wait3A_120 = arith.constant 0 : i32
        %dma_wait3A_121 = arith.constant 0 : i32
        %dma_wait3A_122 = tpu.memref_slice %arg3[%dma_wait3A_120, %dma_wait3A_121] : memref<1000000x32xf32, #tpu.memory_space<hbm>> -> memref<1000000x32xf32, #tpu.memory_space<hbm>>
        tpu.wait_indirect_dma semaphore(%arg16 : memref<!tpu.dma_semaphore, #tpu.memory_space<semaphore_mem>>) src(%dma_wait3A_122 : memref<1000000x32xf32, #tpu.memory_space<hbm>>) dst(%arg10 : memref<512x32xf32, #tpu.memory_space<vmem>>)
        %scan3A_123 = arith.constant 0 : i32
        %scan3A_124 = arith.constant 512 : i32
        %scan3A_125 = arith.addi %scan3A_123, %scan3A_124 : i32
        %scan3A_126 = arith.constant 8 : i32
        %scan3A_127:2 = scf.for %scan3A_136 = %scan3A_123 to %scan3A_125 step %scan3A_126 iter_args(%scan3A_137 = %scan3A_116#0, %scan3A_138 = %scan3A_116#1) -> (vector<16xf32>, vector<16xf32>)  : i32 {
          %get3A = arith.index_cast %scan3A_136 : i32 to index
          %get3A_139 = arith.constant 0 : index
          %get3A_140 = tpu.vector_load %arg10[%get3A, %get3A_139] {strides = array<i32>} : memref<512x32xf32, #tpu.memory_space<vmem>>, vector<1x16xf32>,
          %get3A_141 = vector.shape_cast %get3A_140 : vector<1x16xf32> to vector<16xf32>
          %add3A_142 = arith.addf %scan3A_137, %get3A_141 : vector<16xf32>
          %get3A_143 = arith.index_cast %scan3A_136 : i32 to index
          %get3A_144 = arith.constant 16 : index
          %get3A_145 = tpu.vector_load %arg10[%get3A_143, %get3A_144] {strides = array<i32>} : memref<512x32xf32, #tpu.memory_space<vmem>>, vector<1x16xf32>,
          %get3A_146 = vector.shape_cast %get3A_145 : vector<1x16xf32> to vector<16xf32>
          %add3A_147 = arith.addf %scan3A_138, %get3A_146 : vector<16xf32>
          %scan3A_148 = arith.constant 1 : i32
          %scan3A_149 = arith.addi %scan3A_136, %scan3A_148 : i32
          %get3A_150 = arith.index_cast %scan3A_149 : i32 to index
          %get3A_151 = arith.constant 0 : index
          %get3A_152 = tpu.vector_load %arg10[%get3A_150, %get3A_151] {strides = array<i32>} : memref<512x32xf32, #tpu.memory_space<vmem>>, vector<1x16xf32>,
          %get3A_153 = vector.shape_cast %get3A_152 : vector<1x16xf32> to vector<16xf32>
          %add3A_154 = arith.addf %add3A_142, %get3A_153 : vector<16xf32>
          %get3A_155 = arith.index_cast %scan3A_149 : i32 to index
          %get3A_156 = arith.constant 16 : index
          %get3A_157 = tpu.vector_load %arg10[%get3A_155, %get3A_156] {strides = array<i32>} : memref<512x32xf32, #tpu.memory_space<vmem>>, vector<1x16xf32>,
          %get3A_158 = vector.shape_cast %get3A_157 : vector<1x16xf32> to vector<16xf32>
          %add3A_159 = arith.addf %add3A_147, %get3A_158 : vector<16xf32>
          %scan3A_160 = arith.constant 2 : i32
          %scan3A_161 = arith.addi %scan3A_136, %scan3A_160 : i32
          %get3A_162 = arith.index_cast %scan3A_161 : i32 to index
          %get3A_163 = arith.constant 0 : index
          %get3A_164 = tpu.vector_load %arg10[%get3A_162, %get3A_163] {strides = array<i32>} : memref<512x32xf32, #tpu.memory_space<vmem>>, vector<1x16xf32>,
          %get3A_165 = vector.shape_cast %get3A_164 : vector<1x16xf32> to vector<16xf32>
          %add3A_166 = arith.addf %add3A_154, %get3A_165 : vector<16xf32>
          %get3A_167 = arith.index_cast %scan3A_161 : i32 to index
          %get3A_168 = arith.constant 16 : index
          %get3A_169 = tpu.vector_load %arg10[%get3A_167, %get3A_168] {strides = array<i32>} : memref<512x32xf32, #tpu.memory_space<vmem>>, vector<1x16xf32>,
          %get3A_170 = vector.shape_cast %get3A_169 : vector<1x16xf32> to vector<16xf32>
          %add3A_171 = arith.addf %add3A_159, %get3A_170 : vector<16xf32>
          %scan3A_172 = arith.constant 3 : i32
          %scan3A_173 = arith.addi %scan3A_136, %scan3A_172 : i32
          %get3A_174 = arith.index_cast %scan3A_173 : i32 to index
          %get3A_175 = arith.constant 0 : index
          %get3A_176 = tpu.vector_load %arg10[%get3A_174, %get3A_175] {strides = array<i32>} : memref<512x32xf32, #tpu.memory_space<vmem>>, vector<1x16xf32>,
          %get3A_177 = vector.shape_cast %get3A_176 : vector<1x16xf32> to vector<16xf32>
          %add3A_178 = arith.addf %add3A_166, %get3A_177 : vector<16xf32>
          %get3A_179 = arith.index_cast %scan3A_173 : i32 to index
          %get3A_180 = arith.constant 16 : index
          %get3A_181 = tpu.vector_load %arg10[%get3A_179, %get3A_180] {strides = array<i32>} : memref<512x32xf32, #tpu.memory_space<vmem>>, vector<1x16xf32>,
          %get3A_182 = vector.shape_cast %get3A_181 : vector<1x16xf32> to vector<16xf32>
          %add3A_183 = arith.addf %add3A_171, %get3A_182 : vector<16xf32>
          %scan3A_184 = arith.constant 4 : i32
          %scan3A_185 = arith.addi %scan3A_136, %scan3A_184 : i32
          %get3A_186 = arith.index_cast %scan3A_185 : i32 to index
          %get3A_187 = arith.constant 0 : index
          %get3A_188 = tpu.vector_load %arg10[%get3A_186, %get3A_187] {strides = array<i32>} : memref<512x32xf32, #tpu.memory_space<vmem>>, vector<1x16xf32>,
          %get3A_189 = vector.shape_cast %get3A_188 : vector<1x16xf32> to vector<16xf32>
          %add3A_190 = arith.addf %add3A_178, %get3A_189 : vector<16xf32>
          %get3A_191 = arith.index_cast %scan3A_185 : i32 to index
          %get3A_192 = arith.constant 16 : index
          %get3A_193 = tpu.vector_load %arg10[%get3A_191, %get3A_192] {strides = array<i32>} : memref<512x32xf32, #tpu.memory_space<vmem>>, vector<1x16xf32>,
          %get3A_194 = vector.shape_cast %get3A_193 : vector<1x16xf32> to vector<16xf32>
          %add3A_195 = arith.addf %add3A_183, %get3A_194 : vector<16xf32>
          %scan3A_196 = arith.constant 5 : i32
          %scan3A_197 = arith.addi %scan3A_136, %scan3A_196 : i32
          %get3A_198 = arith.index_cast %scan3A_197 : i32 to index
          %get3A_199 = arith.constant 0 : index
          %get3A_200 = tpu.vector_load %arg10[%get3A_198, %get3A_199] {strides = array<i32>} : memref<512x32xf32, #tpu.memory_space<vmem>>, vector<1x16xf32>,
          %get3A_201 = vector.shape_cast %get3A_200 : vector<1x16xf32> to vector<16xf32>
          %add3A_202 = arith.addf %add3A_190, %get3A_201 : vector<16xf32>
          %get3A_203 = arith.index_cast %scan3A_197 : i32 to index
          %get3A_204 = arith.constant 16 : index
          %get3A_205 = tpu.vector_load %arg10[%get3A_203, %get3A_204] {strides = array<i32>} : memref<512x32xf32, #tpu.memory_space<vmem>>, vector<1x16xf32>,
          %get3A_206 = vector.shape_cast %get3A_205 : vector<1x16xf32> to vector<16xf32>
          %add3A_207 = arith.addf %add3A_195, %get3A_206 : vector<16xf32>
          %scan3A_208 = arith.constant 6 : i32
          %scan3A_209 = arith.addi %scan3A_136, %scan3A_208 : i32
          %get3A_210 = arith.index_cast %scan3A_209 : i32 to index
          %get3A_211 = arith.constant 0 : index
          %get3A_212 = tpu.vector_load %arg10[%get3A_210, %get3A_211] {strides = array<i32>} : memref<512x32xf32, #tpu.memory_space<vmem>>, vector<1x16xf32>,
          %get3A_213 = vector.shape_cast %get3A_212 : vector<1x16xf32> to vector<16xf32>
          %add3A_214 = arith.addf %add3A_202, %get3A_213 : vector<16xf32>
          %get3A_215 = arith.index_cast %scan3A_209 : i32 to index
          %get3A_216 = arith.constant 16 : index
          %get3A_217 = tpu.vector_load %arg10[%get3A_215, %get3A_216] {strides = array<i32>} : memref<512x32xf32, #tpu.memory_space<vmem>>, vector<1x16xf32>,
          %get3A_218 = vector.shape_cast %get3A_217 : vector<1x16xf32> to vector<16xf32>
          %add3A_219 = arith.addf %add3A_207, %get3A_218 : vector<16xf32>
          %scan3A_220 = arith.constant 7 : i32
          %scan3A_221 = arith.addi %scan3A_136, %scan3A_220 : i32
          %get3A_222 = arith.index_cast %scan3A_221 : i32 to index
          %get3A_223 = arith.constant 0 : index
          %get3A_224 = tpu.vector_load %arg10[%get3A_222, %get3A_223] {strides = array<i32>} : memref<512x32xf32, #tpu.memory_space<vmem>>, vector<1x16xf32>,
          %get3A_225 = vector.shape_cast %get3A_224 : vector<1x16xf32> to vector<16xf32>
          %add3A_226 = arith.addf %add3A_214, %get3A_225 : vector<16xf32>
          %get3A_227 = arith.index_cast %scan3A_221 : i32 to index
          %get3A_228 = arith.constant 16 : index
          %get3A_229 = tpu.vector_load %arg10[%get3A_227, %get3A_228] {strides = array<i32>} : memref<512x32xf32, #tpu.memory_space<vmem>>, vector<1x16xf32>,
          %get3A_230 = vector.shape_cast %get3A_229 : vector<1x16xf32> to vector<16xf32>
          %add3A_231 = arith.addf %add3A_219, %get3A_230 : vector<16xf32>
          scf.yield %add3A_226, %add3A_231 : vector<16xf32>, vector<16xf32>
        }
        %scan3A_128 = arith.constant 512 : i32
        %swap3A = arith.constant 0 : index
        %swap3A_129 = tpu.vector_load %arg11[%swap3A] {strides = array<i32>} : memref<32xf32, #tpu.memory_space<vmem>>, vector<16xf32>,
        %swap3A_130 = vector.shape_cast %swap3A_129 : vector<16xf32> to vector<16xf32>
        %swap3A_131 = vector.shape_cast %scan3A_127#0 : vector<16xf32> to vector<16xf32>
        tpu.vector_store %arg11[%swap3A], %swap3A_131 {strides = array<i32>} : memref<32xf32, #tpu.memory_space<vmem>>, vector<16xf32>,
        %swap3A_132 = arith.constant 16 : index
        %swap3A_133 = tpu.vector_load %arg11[%swap3A_132] {strides = array<i32>} : memref<32xf32, #tpu.memory_space<vmem>>, vector<16xf32>,
        %swap3A_134 = vector.shape_cast %swap3A_133 : vector<16xf32> to vector<16xf32>
        %swap3A_135 = vector.shape_cast %scan3A_127#1 : vector<16xf32> to vector<16xf32>
        tpu.vector_store %arg11[%swap3A_132], %swap3A_135 {strides = array<i32>} : memref<32xf32, #tpu.memory_space<vmem>>, vector<16xf32>,
        "tpu.region"() ({
          %run_scoped3A = tpu.sem_alloc : memref<!tpu.dma_semaphore, #tpu.memory_space<semaphore_mem>>
          %dma_start3A_136 = arith.constant 0 : i32
          %dma_start3A_137 = tpu.memref_slice %arg4[%add3A_11, %dma_start3A_136] : memref<200x32xf32, #tpu.memory_space<hbm>> -> memref<1x32xf32, #tpu.memory_space<hbm>>
          %dma_start3A_138 = tpu.memref_squeeze %dma_start3A_137 : memref<1x32xf32, #tpu.memory_space<hbm>> -> memref<32xf32, #tpu.memory_space<hbm>>
          %dma_start3A_139 = arith.constant 0 : i32
          %dma_start3A_140 = tpu.memref_slice %arg4[%add3A_11, %dma_start3A_139] : memref<200x32xf32, #tpu.memory_space<hbm>> -> memref<1x32xf32, #tpu.memory_space<hbm>>
          %dma_start3A_141 = tpu.memref_squeeze %dma_start3A_140 : memref<1x32xf32, #tpu.memory_space<hbm>> -> memref<32xf32, #tpu.memory_space<hbm>>
          tpu.enqueue_dma source(%arg11 : memref<32xf32, #tpu.memory_space<vmem>>) target(%dma_start3A_141 : memref<32xf32, #tpu.memory_space<hbm>>) target_semaphore(%run_scoped3A : memref<!tpu.dma_semaphore, #tpu.memory_space<semaphore_mem>>)
          %dma_wait3A_142 = arith.constant 0 : i32
          %dma_wait3A_143 = tpu.memref_slice %arg4[%add3A_11, %dma_wait3A_142] : memref<200x32xf32, #tpu.memory_space<hbm>> -> memref<1x32xf32, #tpu.memory_space<hbm>>
          %dma_wait3A_144 = tpu.memref_squeeze %dma_wait3A_143 : memref<1x32xf32, #tpu.memory_space<hbm>> -> memref<32xf32, #tpu.memory_space<hbm>>
          %dma_wait3A_145 = arith.constant 0 : i32
          %dma_wait3A_146 = tpu.memref_slice %arg4[%add3A_11, %dma_wait3A_145] : memref<200x32xf32, #tpu.memory_space<hbm>> -> memref<1x32xf32, #tpu.memory_space<hbm>>
          %dma_wait3A_147 = tpu.memref_squeeze %dma_wait3A_146 : memref<1x32xf32, #tpu.memory_space<hbm>> -> memref<32xf32, #tpu.memory_space<hbm>>
          tpu.wait_dma2 semaphore(%run_scoped3A : memref<!tpu.dma_semaphore, #tpu.memory_space<semaphore_mem>>) src(%arg11 : memref<32xf32, #tpu.memory_space<vmem>>) dst(%dma_wait3A_147 : memref<32xf32, #tpu.memory_space<hbm>>)
          tpu.yield
        }) : () -> ()
      } else {
      }
    }
    %scan3A_7 = arith.constant 7 : i32
    return
  }
}

module attributes {stable_mosaic.version = 14 : i64} {
  func.func @body(%arg0: memref<200x32xf32, #tpu.memory_space<vmem>>, %arg1: memref<32x32xf32, #tpu.memory_space<vmem>>, %arg2: memref<1x32xf32, #tpu.memory_space<vmem>>, %arg3: memref<200x32xf32, #tpu.memory_space<vmem>>) attributes {dimension_semantics = [], scalar_prefetch = 0 : i64, scratch_operands = 0 : i64, tpu.core_type = #tpu.core_type<tc>} {
    %get3A = arith.constant 0 : index
    %get3A_0 = arith.constant 0 : index
    %get3A_1 = vector.load %arg0[%get3A, %get3A_0] : memref<200x32xf32, #tpu.memory_space<vmem>>, vector<200x32xf32>
    %mul3A = arith.constant 6.10351563E-5 : f32
    %mul3A_2 = vector.broadcast %mul3A : f32 to vector<200x32xf32>
    %mul3A_3 = arith.mulf %get3A_1, %mul3A_2 : vector<200x32xf32>
    %get3A_4 = arith.constant 0 : index
    %get3A_5 = arith.constant 0 : index
    %get3A_6 = vector.load %arg1[%get3A_4, %get3A_5] : memref<32x32xf32, #tpu.memory_space<vmem>>, vector<32x32xf32>
    %dot_general3A = arith.constant dense<0.000000e+00> : vector<200x32xf32>
    %dot_general3A_7 = tpu.matmul %mul3A_3, %get3A_6, %dot_general3A {dimension_numbers = #tpu.dot_dimension_numbers<[1], [1], [0], [0], [0, 0, 1, 0], [], []>, transpose_lhs_hint = false} : vector<200x32xf32>, vector<32x32xf32>, vector<200x32xf32> -> vector<200x32xf32>
    %get3A_8 = arith.constant 0 : index
    %get3A_9 = arith.constant 0 : index
    %get3A_10 = vector.load %arg2[%get3A_8, %get3A_9] : memref<1x32xf32, #tpu.memory_space<vmem>>, vector<1x32xf32>
    %add3A = vector.broadcast %get3A_10 : vector<1x32xf32> to vector<200x32xf32>
    %add3A_11 = arith.addf %dot_general3A_7, %add3A : vector<200x32xf32>
    %swap3A = arith.constant 0 : index
    %swap3A_12 = arith.constant 0 : index
    %swap3A_13 = vector.load %arg3[%swap3A, %swap3A_12] : memref<200x32xf32, #tpu.memory_space<vmem>>, vector<200x32xf32>
    tpu.vector_store %arg3[%swap3A, %swap3A_12], %add3A_11 {strides = array<i32>} : memref<200x32xf32, #tpu.memory_space<vmem>>, vector<200x32xf32>,
    return
  }
}

</mosaic_0001>

<sc_bundles>
// kernel: kernel.4.cloned.1.call-start
scs
__scs_entry_jumppad:
0x0: {  	(pc) =	sbr.rel $0x88, $3  }
0x1: {  	(tag) =	ssettag $0x0;
	lr =	simm.s32 $0x1  }
0x2: {  	[smem:$0x3F9D] =	sst lr;
	_ =	strace $0xD0000000  }
0x3: {  	_ = 	snop  }
0x4: {  	_ = 	snop  }
0x5: {  	_ = 	snop  }
0x6: {  	_ = 	snop  }
0x7: {  	_ = 	snop  }
__scs_overlays_trampoline_lowered:
0x8: {  	[smem:$0x3FAC] =	sst s0  }
0x9: {  	[smem:$0x3FAD] =	sst s1  }
0xa: {  	[smem:$0x3FAE] =	sst s2  }
0xb: {  	[smem:$0x3FAF] =	sst s3  }
0xc: {  	[smem:$0x3FB0] =	sst s4  }
0xd: {  	[smem:$0x3FB1] =	sst s5  }
0xe: {  	[smem:$0x3FB2] =	sst s6  }
0xf: {  	[smem:$0x3FB3] =	sst s7  }
0x10: {  	[smem:$0x3FB4] =	sst s8  }
0x11: {  	[smem:$0x3FB5] =	sst s9;
	s0 =	simm.s32 @!p0 $0x0  }
0x12: {  	s1 =	sld [smem:$0x3F9B];
	s0 =	simm.s32 @p0 $0x1  }
0x13: {  	[smem:$0x3FB6] =	sst s0;
	s0 =	simm.s32 @!p1 $0x0  }
0x14: {  	s2 =	sld [smem:$0x3F9A];
	s0 =	simm.s32 @p1 $0x1  }
0x15: {  	[smem:$0x3FB7] =	sst s0;
	s0 =	simm.s32 @!p2 $0x0  }
0x16: {  	s3 =	sld [smem:$0x3FDB];
	s0 =	simm.s32 @p2 $0x1  }
0x17: {  	s4 =	simm.s32 $0x1BF5;
	[smem:$0x3FB9] =	sst s0  }
0x18: {  	s0 =	sld [smem:$0x3F9C];
	_ =	swait.ge [sflag:s4], $0x0  }
0x19: {  	s7 =	sld [smem:$0x3F9D]  }
0x1a: {  	s8 =	sadd.s32 $0xFFFFE003, lr  }
0x1b: {  	s9 =	sadd.s32 $0xFFFFFEF7, lr;
	s5 =	simm.s32 $0xFFFFFFFF;
	p2 =	slt.u32 s8, $0xFFFFF086  }
0x1c: {  	p1 =	slt.u32 s9, $0xF7A;
	s5 =	simm.s32 @!p2 $0x0  }
0x1d: {  	s5 =	simm.s32 @p1 $0x1;
	p0 =	seq.s32 s7, s2  }
0x1e: {  	s7 =	smul.u32 @!p0 $0xF7A, s2;
	p2 =	seq.s32 @!p0 s5, $0x0  }
0x1f: {  	s9 =	smul.u32 $0xF7A, s1;
	s8 =	simm.s32 @!p0 $0x1BF5;
	p2 =	por !p2, p0  }
0x20: {  	[sflag:s8] =	ssyncset.s32 @!p0 $0xFFFFF086;
	s6 =	sadd.s32 @!p0 s3, s7;
	s7 =	simm.s32 @!p0 $0x108  }
0x21: {  	s3 =	sadd.s32 s3, s9;
	s6 =	sadd.s32 @!p0 $0x88, s6;
	s7 =	simm.s32 @p2 $0x1082  }
0x22: {  	[simem:s7], [sflag:s8] =	dma.local @!p0 [hbm:s6], $0xF7A  }
0x23: {  	s9 =	sor.u32 $0xD0000000, s2;
	s6 =	simm.s32 $0x108;
	_ =	swait.ge @!p0 [sflag:s8], $0x0  }
0x24: {  	s3 =	sadd.s32 $0x88, s3;
	s6 =	simm.s32 @!p1 $0x1082;
	[sflag:s4] =	ssyncset.s32 $0xFFFFF086  }
0x25: {  	[simem:s6], [sflag:s4] =	dma.local [hbm:s3], $0xF7A  }
0x26: {  	[smem:$0x3F9D] =	sst s1;
	(tag) =	ssettag s2;
	_ =	strace s9  }
0x27: {  	s1 =	sld [smem:$0x3FAD]  }
0x28: {  	s2 =	sld [smem:$0x3FAE]  }
0x29: {  	s4 =	sld [smem:$0x3FB0]  }
0x2a: {  	p0 =	seq.s32 s5, $0x0;
	s5 =	sld [smem:$0x3FB1]  }
0x2b: {  	s6 =	sld [smem:$0x3FB2]  }
0x2c: {  	s7 =	sld [smem:$0x3FB3]  }
0x2d: {  	s3 =	simm.s32 $0x108;
	s8 =	sld [smem:$0x3FB4]  }
0x2e: {  	s3 =	simm.s32 @!p0 $0x1082;
	s9 =	sld [smem:$0x3FB5]  }
0x2f: {  	lr =	sadd.s32 s0, s3;
	s0 =	sld [smem:$0x3FAC]  }
0x30: {  	s3 =	sld [smem:$0x3FAF]  }
0x31: {  	[smem:$0x3FB8] =	sst s10  }
0x32: {  	s10 =	sld [smem:$0x3FB6];
	_ =	sdelay $0x3  }
0x33: {  	p0 =	seq.s32 s10, $0x1;
	s10 =	sld [smem:$0x3FB8];
	_ =	sdelay $0x3  }
0x34: {  	[smem:$0x3FB8] =	sst s10  }
0x35: {  	s10 =	sld [smem:$0x3FB7];
	_ =	sdelay $0x3  }
0x36: {  	p1 =	seq.s32 s10, $0x1;
	s10 =	sld [smem:$0x3FB8];
	_ =	sdelay $0x3  }
0x37: {  	[smem:$0x3FB8] =	sst s10  }
0x38: {  	s10 =	sld [smem:$0x3FB9]  }
0x39: {  	_ = 	snop;
	(pc) =	sbr.ind lr, $3  }
0x3a: {  	_ = 	snop  }
0x3b: {  	_ = 	snop  }
0x3c: {  	p2 =	seq.s32 s10, $0x1;
	s10 =	sld [smem:$0x3FB8]  }
0x3d: {  	_ =	shalt  }
0x3e: {  	_ =	shalt  }
0x3f: {  	_ =	shalt  }
0x40: {  	_ =	shalt  }
0x41: {  	_ =	shalt  }
0x42: {  	_ =	shalt  }
0x43: {  	_ =	shalt  }
0x44: {  	_ =	shalt  }
0x45: {  	_ =	shalt  }
0x46: {  	_ =	shalt  }
0x47: {  	_ =	shalt  }
0x48: {  	_ =	shalt  }
0x49: {  	_ =	shalt  }
0x4a: {  	_ =	shalt  }
0x4b: {  	_ =	shalt  }
0x4c: {  	_ =	shalt  }
0x4d: {  	_ =	shalt  }
0x4e: {  	_ =	shalt  }
0x4f: {  	_ =	shalt  }
0x50: {  	_ =	shalt  }
0x51: {  	_ =	shalt  }
0x52: {  	_ =	shalt  }
0x53: {  	_ =	shalt  }
0x54: {  	_ =	shalt  }
0x55: {  	_ =	shalt  }
0x56: {  	_ =	shalt  }
0x57: {  	_ =	shalt  }
0x58: {  	_ =	shalt  }
0x59: {  	_ =	shalt  }
0x5a: {  	_ =	shalt  }
0x5b: {  	_ =	shalt  }
0x5c: {  	_ =	shalt  }
0x5d: {  	_ =	shalt  }
0x5e: {  	_ =	shalt  }
0x5f: {  	_ =	shalt  }
0x60: {  	_ =	shalt  }
0x61: {  	_ =	shalt  }
0x62: {  	_ =	shalt  }
0x63: {  	_ =	shalt  }
0x64: {  	_ =	shalt  }
0x65: {  	_ =	shalt  }
0x66: {  	_ =	shalt  }
0x67: {  	_ =	shalt  }
0x68: {  	_ =	shalt  }
0x69: {  	_ =	shalt  }
0x6a: {  	_ =	shalt  }
0x6b: {  	_ =	shalt  }
0x6c: {  	_ =	shalt  }
0x6d: {  	_ =	shalt  }
0x6e: {  	_ =	shalt  }
0x6f: {  	_ =	shalt  }
0x70: {  	_ =	shalt  }
0x71: {  	_ =	shalt  }
0x72: {  	_ =	shalt  }
0x73: {  	_ =	shalt  }
0x74: {  	_ =	shalt  }
0x75: {  	_ =	shalt  }
0x76: {  	_ =	shalt  }
0x77: {  	_ =	shalt  }
0x78: {  	_ =	shalt  }
0x79: {  	_ =	shalt  }
0x7a: {  	_ =	shalt  }
0x7b: {  	_ =	shalt  }
0x7c: {  	_ =	shalt  }
0x7d: {  	_ =	shalt  }
0x7e: {  	_ =	shalt  }
0x7f: {  	_ =	shalt  }
0x80: {  	_ =	shalt  }
0x81: {  	_ =	shalt  }
0x82: {  	_ =	shalt  }
0x83: {  	_ =	shalt  }
0x84: {  	_ =	shalt  }
0x85: {  	_ =	shalt  }
0x86: {  	_ =	shalt  }
0x87: {  	_ =	shalt  }
.Lfunc_end0:
.L_simem_size_0:
called_computation_lowered:
.L_overlay_start_0:
0x88: {  	s2 =	sld [smem:$0x3FD9]  }
0x89: {  	s3 =	sld [smem:$0x3FFE];
	_ =	sdelay $0x1  }
0x8a: {  	s1 =	srdreg.scid  }
0x8b: {  	s0 =	sand.u32 $0x1, s1  }
0x8c: {  	s17 =	sshll.u32 s0, $0xA;
	s2 =	sadd.s32 s3, s2  }
0x8d: {  	s2 =	sadd.s32 s2, s17  }
0x8e: {  	[smem:$0x3FC4] =	sst s2  }
0x8f: {  	_ = 	snop  }
0x90: {  	s2 =	sld [smem:$0x3FC9]  }
0x91: {  	s18 =	sld [smem:$0x3FD0];
	(tm) =	ssettm $0x1  }
0x92: {  	s4 =	sld [smem:$0x3FFB];
	_ =	sdelay $0x3  }
0x93: {  	_ =	strace s4  }
0x94: {  	s4 =	sld [smem:$0x3FFC];
	_ =	sdelay $0x3  }
0x95: {  	_ =	strace s4  }
0x96: {  	s4 =	sld [smem:$0x3FFD];
	_ =	sdelay $0x3  }
0x97: {  	_ =	strace s4  }
0x98: {  	_ =	strace $0x8FFFFFFF  }
0x99: {  	s19 =	sld [smem:$0x3FDB];
	_ =	sdelay $0x1  }
0x9a: {  	s5 =	simm.s32 $_scs_section_size  }
0x9b: {  	s6 =	simm.s32 $_size__tile_overlayer_lowered;
	s7 =	simm.s32 $_tile_overlayer_lowered  }
0x9c: {  	s22 =	simm.s32 $0x1BFF;
	s21 =	sshll.u32 s7, $0x1;
	s4 =	sadd.s32 s5, s19  }
0x9d: {  	s8 =	simm.s32 $0x0;
	s20 =	sshll.u32 s6, $0x1;
	s6 =	sadd.s32 s21, s4  }
0x9e: {  	[timem:s8], [sflag:s22] =	dma.local [hbm:s6], s20  }
0x9f: {  	_ =	swait.ge [sflag:s22], s20  }
0xa0: {  	s5 =	ssub.s32 $0x0, s20;
	[sflag:s22] =	ssyncset.done $0x0  }
0xa1: {  	[sflag:s22] =	ssyncadd.s32 s5;
	_ =	sdelay $0x1  }
0xa2: {  	s23 =	simm.s32 $0x1B8B  }
0xa3: {  	_ =	swait.ge [sflag:s23], $0x1  }
0xa4: {  	[sflag:s23] =	ssyncset.done $0x0  }
0xa5: {  	s25 =	simm.s32 $0x1B8E;
	s24 =	sld [smem:$0x3FFE];
	[sflag:s23] =	ssyncadd.s32 $0xFFFFFFFF  }
0xa6: {  	s26 =	simm.s32 $execute0_lowered;
	[smem:$0x3FD2] =	sst s25  }
0xa7: {  	s6 =	sshll.u32 s26, $0x1;
	_ =	strace $0x80000046;
	[dreg:$0x1] =	wrdreg $0xFFFFFFFF  }
0xa8: {  	s28 =	simm.s32 $_size_execute0_lowered;
	s4 =	sadd.s32 s4, s6;
	[dreg:$0x0] =	wrdreg $0x0  }
0xa9: {  	s6 =	sshll.u32 s28, $0x1;
	[dreg:$0x2] =	wrdreg s4  }
0xaa: {  	[dreg:$0x3] =	wrdreg s6  }
0xab: {  	[dreg:$0x4] =	wrdreg $0xC0  }
0xac: {  	_ =	task [dreg:s8], $0x5FFFF  }
0xad: {  	[dreg:$0x1] =	wrdreg $0xFFFFFFFF  }
0xae: {  	[dreg:$0x0] =	wrdreg $0x60  }
0xaf: {  	[dreg:$0x2] =	wrdreg s2  }
0xb0: {  	[dreg:$0x3] =	wrdreg s24  }
0xb1: {  	[dreg:$0x4] =	wrdreg s18  }
0xb2: {  	[dreg:$0x5] =	wrdreg $0x9  }
0xb3: {  	_ =	task.clear_ibuf [dreg:s8], $0x6FFFF;
	_ =	strace $0x90000046  }
0xb4: {  	s29 =	simm.s32 $0x9;
	_ =	strace $0x80000048  }
0xb5: {  	_ =	swait.ge [sflag:s29], $0x1  }
0xb6: {  	[sflag:s29] =	ssyncadd.s32 $0xFFFFFFFF  }
0xb7: {  	_ =	strace $0x90000048  }
0xb8: {  	_ =	sfence  }
0xb9: {  	s30 =	sld [smem:$0x0];
	_ =	sdelay $0x2  }
0xba: {  	s31 =	sshll.u32 s1, $0xD;
	s1 =	sshrl.u32 s1, $0x2  }
0xbb: {  	s3 =	sand.u32 $0x4000, s31;
	s1 =	sadd.s32 s1, s30  }
0xbc: {  	s0 =	sor.u32 s3, s0;
	s1 =	sshll.u32 s1, $0x11  }
0xbd: {  	s0 =	sor.u32 s1, s0  }
0xbe: {  	s0 =	sadd.s32 $0x8F2B, s0  }
0xbf: {  	[sflag:s0] =	ssyncadd.remote.s32 $0x1  }
0xc0: {  	_ =	sfence.sel $0xFFFF  }
0xc1: {  	[dreg:$0x0] =	wrdreg $0xFFFFFFFF;
	(pc) =	sbr.abs _section_cstart, $3  }
0xc2: {  	[dreg:$0x1] =	wrdreg $0xFFFFFFFF  }
0xc3: {  	_ =	task.clear_ibuf [dreg:s8], $0x2FFFF;
	_ =	strace $0x9FFFFFFF  }
0xc4: {  	(tm) =	ssettm $0x7FFFFFFF  }
0xc5: {  	_ =	shalt  }
tec
execute0_lowered:
.L_overlay_start_1:
0x0: {  	(tag) =	ssettag $0x1  }
0x1: {  	s0 =	rddreg [dreg:$0x0]  }
0x2: {  	s1 =	rddreg [dreg:$0x1]  }
0x3: {  	s2 =	simm.s32 $0x0;
	s23 =	srdreg.scid;
	s6 =	stileid.u32  }
0x4: {  	s11 =	simm.s32 $0x1;
	s12 =	simm.s32 $0x200;
	s14 =	simm.s32 $0xC000  }
0x5: {  	s16 =	simm.s32 $0x10000;
	s18 =	simm.s32 $0x14000;
	s20 =	simm.s32 $0x18000  }
0x6: {  	s21 =	simm.s32 $0x2;
	s28 =	simm.s32 $0x5;
	s29 =	simm.s32 $0xB000  }
0x7: {  	s30 =	simm.s32 $0xB200;
	s31 =	simm.s32 $0xB400;
	s9 =	simm.s32 $0xBC00  }
0x8: {  	s10 =	simm.s32 $0xBE00;
	s8 =	simm.s32 $0x6;
	s13 =	simm.s32 $0x0  }
0x9: {  	[smem:$0x7FF] =	sst s2;
	s2 =	sand.u32 $0x1, s23;
	s3 =	sshll.u32 s6, $0x1  }
0xa: {  	s4 =	sadd.s32 $0xF42C00, s1;
	s24 =	sshll.u32 s6, $0xC;
	s23 =	simm.s32 $0x3  }
0xb: {  	s6 =	simm.s32 $0x1C000;
	_ =	strace $0x80000047;
	s5 =	sor.u32 s2, s3  }
0xc: {  	s2 =	ssub.s32 $0x2, s2;
	s1 =	sand.u32 $0xC000, s24;
	s3 =	sshll.u32 s5, $0x4  }
.Ltmp0:
0xd: {  	s25 =	sshrl.u32 s2, $0x1;
	s1 =	sadd.s32 s0, s1;
	(pc) =	sbr.rel .LBB2_1-.Ltmp0, $4  }
0xe: {  	s3 =	sand.u32 $0x70, s3;
	s2 =	ssub.s32 s2, s25;
	s25 =	simm.s32 $0x4  }
0xf: {  	s1 =	sadd.s32 s3, s1;
	s7 =	sadd.s32 s0, s3;
	s26 =	smax.u32 s2, $0x1  }
0x10: {  	s0 =	simm.s32 $0xB600;
	s2 =	simm.s32 $0xB800;
	[dreg:$0x4] =	wrdreg s1  }
0x11: {  	s3 =	simm.s32 $0xBA00;
	[dreg:$0x5] =	wrdreg s26;
	s26 =	simm.s32 $0xAE00  }
.LBB2_15:
0x12: {  	s13 =	rddreg [dreg:$0x6]  }
0x13: {  	s1 =	rddreg [dreg:$0x5];
	s13 =	sadd.s32 $0x1, s13  }
0x14: {  	p0 =	sne.s32 s13, s1  }
.Ltmp1:
0x15: {  	_ = 	snop;
	(pc) =	sbr.rel @!p0 .LBB2_16-.Ltmp1, $1  }
0x16: {  	_ =	sdelay $0x3  }
.LBB2_1:
.Ltmp2:
0x17: {  	(pc) =	sbr.rel .LBB2_2-.Ltmp2, $4  }
0x18: {  	s1 =	simm.s32 $0x0  }
0x19: {  	s24 =	rddreg [dreg:$0x4];
	s15 =	simm.s32 $0x80;
	s17 =	simm.s32 $0x400  }
0x1a: {  	[tilespmem:s1], [sflag:$0x1] =	stream.strided.gather [hbm4b:s24+s15], $0x4000, s17, s15, $0x38;
	[tilespmem:$0x1C020] =	vst v63  }
0x1b: {  	[dreg:$0x6] =	wrdreg s13;
	p0 =	por $0x0, $0x0;
	s1 =	simm.s32 $0x0  }
.LBB2_14:
0x1c: {  	s1 =	sadd.s32 $0x1, s1  }
0x1d: {  	p1 =	sne.s32 s1, $0x7  }
.Ltmp3:
0x1e: {  	_ = 	snop;
	(pc) =	sbr.rel @!p1 .LBB2_15-.Ltmp3, $2  }
0x1f: {  	_ =	sdelay $0x2  }
0x20: {  	p0 =	por !p0, !p0  }
.LBB2_2:
0x21: {  	s13 =	sshll.u32 s1, $0x5  }
0x22: {  	s13 =	sor.u32 s5, s13  }
0x23: {  	p1 =	sgt.u32 s13, $0xC7  }
.Ltmp4:
0x24: {  	_ = 	snop;
	(pc) =	sbr.rel @p1 .LBB2_14-.Ltmp4, $1  }
0x25: {  	_ =	sdelay $0x3  }
0x26: {  	s15 =	simm.s32 $0x1  }
0x27: {  	s15 =	simm.s32 @!p0 $0x0  }
0x28: {  	p1 =	sgt.u32 s13, $0xA7;
	s17 =	sand.u32 $0x1, s1;
	s15 =	sshll.u32 s15, $0xE  }
0x29: {  	_ =	swait.ge [sflag:s11], $0x4000;
	s19 =	sshll.u32 @!p1 s13, $0xB;
	s15 =	sor.u32 $0x40, s15  }
0x2a: {  	[sflag:s11] =	ssyncset.done $0x0;
	s17 =	sshll.u32 @!p1 s17, $0xE;
	s19 =	sadd.s32 @!p1 $0x10000, s19;
	v0 =	vmov s15  }
0x2b: {  	s22 =	simm.s32 @!p1 $0x80;
	s24 =	simm.s32 @!p1 $0x400;
	s19 =	sand.u32 @!p1 $0xFC000, s19  }
0x2c: {  	[sflag:s11] =	ssyncadd.s32 $0xFFFFC000;
	s17 =	sxor.u32 @!p1 $0x4000, s17;
	s19 =	sadd.s32 @!p1 s19, s7  }
0x2d: {  	[tilespmem:s17], [sflag:$0x1] =	stream.strided.gather @!p1 [hbm4b:s19+s22], $0x4000, s24, s22, $0x38;
	[tilespmem:$0x1C020] =	vst v63  }
0x2e: {  	s15 =	simm.s32 $0x0;
	s17 =	simm.s32 $0x200  }
.LBB2_4:
0x2f: {  	p1 =	sne.s32 s17, $0xFE00;
	v1 =	vld.idx.msk [tilespmem:v0+s15+$0xFFFFFFC0 ss:$0x1], $0xffff;
	_ =	sdelay $0x5  }
0x30: {  	[tilespmem:s15+$0x8000] =	vst v1  }
0x31: {  	v1 =	vld.idx.msk [tilespmem:v0+s15+$0xFFFFFFD0 ss:$0x1], $0xffff;
	_ =	sdelay $0x5  }
0x32: {  	[tilespmem:s15+$0x8010] =	vst v1  }
0x33: {  	v1 =	vld.idx.msk [tilespmem:v0+s15+$0xFFFFFFE0 ss:$0x1], $0xffff;
	_ =	sdelay $0x5  }
0x34: {  	[tilespmem:s15+$0x8020] =	vst v1  }
0x35: {  	v1 =	vld.idx.msk [tilespmem:v0+s15+$0xFFFFFFF0 ss:$0x1], $0xffff;
	_ =	sdelay $0x5  }
0x36: {  	[tilespmem:s15+$0x8030] =	vst v1  }
0x37: {  	v1 =	vld.idx.msk [tilespmem:v0+s15+$0x0 ss:$0x1], $0xffff;
	_ =	sdelay $0x5  }
0x38: {  	[tilespmem:s15+$0x8040] =	vst v1  }
0x39: {  	v1 =	vld.idx.msk [tilespmem:v0+s15+$0x10 ss:$0x1], $0xffff;
	_ =	sdelay $0x5  }
0x3a: {  	[tilespmem:s15+$0x8050] =	vst v1  }
0x3b: {  	v1 =	vld.idx.msk [tilespmem:v0+s15+$0x20 ss:$0x1], $0xffff;
	_ =	sdelay $0x5  }
0x3c: {  	[tilespmem:s15+$0x8060] =	vst v1  }
0x3d: {  	v1 =	vld.idx.msk [tilespmem:v0+s15+$0x30 ss:$0x1], $0xffff;
	_ =	sdelay $0x1  }
.Ltmp5:
0x3e: {  	(pc) =	sbr.rel @p1 .LBB2_4-.Ltmp5, $2  }
0x3f: {  	_ =	sdelay $0x2  }
0x40: {  	[tilespmem:s15+$0x8070] =	vst v1;
	s15 =	sshra.s32 s17, $0x2;
	s17 =	sadd.s32 $0x200, s17  }
0x41: {  	_ =	sdelay $0x3  }
0x42: {  	v1 =	vld.idx.msk [tilespmem:v0+s15+$0xFFFFFFC0 ss:$0x1], $0xffff;
	_ =	sdelay $0x4  }
0x43: {  	[tilespmem:s15+$0x8000] =	vst v1  }
0x44: {  	v1 =	vld.idx.msk [tilespmem:v0+s15+$0xFFFFFFD0 ss:$0x1], $0xffff;
	_ =	sdelay $0x4  }
0x45: {  	[tilespmem:s15+$0x8010] =	vst v1  }
0x46: {  	v1 =	vld.idx.msk [tilespmem:v0+s15+$0xFFFFFFE0 ss:$0x1], $0xffff;
	_ =	sdelay $0x4  }
0x47: {  	[tilespmem:s15+$0x8020] =	vst v1  }
0x48: {  	v1 =	vld.idx.msk [tilespmem:v0+s15+$0xFFFFFFF0 ss:$0x1], $0xffff;
	_ =	sdelay $0x4  }
0x49: {  	[tilespmem:s15+$0x8030] =	vst v1  }
0x4a: {  	v1 =	vld.idx.msk [tilespmem:v0+s15+$0x0 ss:$0x1], $0xffff;
	_ =	sdelay $0x4  }
0x4b: {  	[tilespmem:s15+$0x8040] =	vst v1  }
0x4c: {  	v1 =	vld.idx.msk [tilespmem:v0+s15+$0x10 ss:$0x1], $0xffff;
	_ =	sdelay $0x4  }
0x4d: {  	[tilespmem:s15+$0x8050] =	vst v1  }
0x4e: {  	v1 =	vld.idx.msk [tilespmem:v0+s15+$0x20 ss:$0x1], $0xffff;
	_ =	sdelay $0x4  }
0x4f: {  	[tilespmem:s15+$0x8060] =	vst v1  }
0x50: {  	v0 =	vld.idx.msk [tilespmem:v0+s15+$0x30 ss:$0x1], $0xffff;
	_ =	sdelay $0x4  }
0x51: {  	s19 =	simm.s32 $0x8000;
	[tilespmem:s15+$0x8070] =	vst v0  }
0x52: {  	[tilespmem:s14], [sflag:$0x2] =	stream.indirect.gather [hbm4b:s4+s12], $0x20, s19, s12, $0xb8;
	[tilespmem:$0x1C020] =	vst v63  }
0x53: {  	s22 =	simm.s32 $0x8200  }
0x54: {  	[tilespmem:s16], [sflag:$0x3] =	stream.indirect.gather [hbm4b:s4+s12], $0x20, s22, s12, $0xb8;
	[tilespmem:$0x1C020] =	vst v63  }
0x55: {  	s24 =	simm.s32 $0x8400  }
0x56: {  	[tilespmem:s18], [sflag:$0x4] =	stream.indirect.gather [hbm4b:s4+s12], $0x20, s24, s12, $0xb8;
	[tilespmem:$0x1C020] =	vst v63  }
0x57: {  	s17 =	simm.s32 $0x8600  }
0x58: {  	[tilespmem:s20], [sflag:$0x5] =	stream.indirect.gather [hbm4b:s4+s12], $0x20, s17, s12, $0xb8;
	[tilespmem:$0x1C020] =	vst v63  }
0x59: {  	_ =	swait.ge [sflag:s21], $0x4000  }
0x5a: {  	[sflag:s21] =	ssyncset.done $0x0  }
0x5b: {  	s19 =	simm.s32 $0x8800;
	[sflag:s21] =	ssyncadd.s32 $0xFFFFC000  }
0x5c: {  	[tilespmem:s14], [sflag:$0x2] =	stream.indirect.gather.add.f32 [hbm:s4], $0x20, s19, s12, $0xb8;
	[tilespmem:$0x1C020] =	vst v63  }
0x5d: {  	_ =	swait.ge [sflag:s23], $0x4000  }
0x5e: {  	[sflag:s23] =	ssyncset.done $0x0  }
0x5f: {  	s22 =	simm.s32 $0x8A00;
	[sflag:s23] =	ssyncadd.s32 $0xFFFFC000  }
0x60: {  	[tilespmem:s16], [sflag:$0x3] =	stream.indirect.gather.add.f32 [hbm:s4], $0x20, s22, s12, $0xb8;
	[tilespmem:$0x1C020] =	vst v63  }
0x61: {  	_ =	swait.ge [sflag:s25], $0x4000  }
0x62: {  	[sflag:s25] =	ssyncset.done $0x0  }
0x63: {  	s24 =	simm.s32 $0x8C00;
	[sflag:s25] =	ssyncadd.s32 $0xFFFFC000  }
0x64: {  	[tilespmem:s18], [sflag:$0x4] =	stream.indirect.gather.add.f32 [hbm:s4], $0x20, s24, s12, $0xb8;
	[tilespmem:$0x1C020] =	vst v63  }
0x65: {  	_ =	swait.ge [sflag:s28], $0x4000  }
0x66: {  	[sflag:s28] =	ssyncset.done $0x0  }
0x67: {  	s17 =	simm.s32 $0x8E00;
	[sflag:s28] =	ssyncadd.s32 $0xFFFFC000  }
0x68: {  	[tilespmem:s20], [sflag:$0x5] =	stream.indirect.gather.add.f32 [hbm:s4], $0x20, s17, s12, $0xb8;
	[tilespmem:$0x1C020] =	vst v63  }
0x69: {  	_ =	swait.ge [sflag:s21], $0x4000  }
0x6a: {  	[sflag:s21] =	ssyncset.done $0x0  }
0x6b: {  	s19 =	simm.s32 $0x9000;
	[sflag:s21] =	ssyncadd.s32 $0xFFFFC000  }
0x6c: {  	[tilespmem:s14], [sflag:$0x2] =	stream.indirect.gather.add.f32 [hbm:s4], $0x20, s19, s12, $0xb8;
	[tilespmem:$0x1C020] =	vst v63  }
0x6d: {  	_ =	swait.ge [sflag:s23], $0x4000  }
0x6e: {  	[sflag:s23] =	ssyncset.done $0x0  }
0x6f: {  	s22 =	simm.s32 $0x9200;
	[sflag:s23] =	ssyncadd.s32 $0xFFFFC000  }
0x70: {  	[tilespmem:s16], [sflag:$0x3] =	stream.indirect.gather.add.f32 [hbm:s4], $0x20, s22, s12, $0xb8;
	[tilespmem:$0x1C020] =	vst v63  }
0x71: {  	_ =	swait.ge [sflag:s25], $0x4000  }
0x72: {  	[sflag:s25] =	ssyncset.done $0x0  }
0x73: {  	s24 =	simm.s32 $0x9400;
	[sflag:s25] =	ssyncadd.s32 $0xFFFFC000  }
0x74: {  	[tilespmem:s18], [sflag:$0x4] =	stream.indirect.gather.add.f32 [hbm:s4], $0x20, s24, s12, $0xb8;
	[tilespmem:$0x1C020] =	vst v63  }
0x75: {  	_ =	swait.ge [sflag:s28], $0x4000  }
0x76: {  	[sflag:s28] =	ssyncset.done $0x0  }
0x77: {  	s17 =	simm.s32 $0x9600;
	[sflag:s28] =	ssyncadd.s32 $0xFFFFC000  }
0x78: {  	[tilespmem:s20], [sflag:$0x5] =	stream.indirect.gather.add.f32 [hbm:s4], $0x20, s17, s12, $0xb8;
	[tilespmem:$0x1C020] =	vst v63  }
0x79: {  	_ =	swait.ge [sflag:s21], $0x4000  }
0x7a: {  	[sflag:s21] =	ssyncset.done $0x0  }
0x7b: {  	s19 =	simm.s32 $0x9800;
	[sflag:s21] =	ssyncadd.s32 $0xFFFFC000  }
0x7c: {  	[tilespmem:s14], [sflag:$0x2] =	stream.indirect.gather.add.f32 [hbm:s4], $0x20, s19, s12, $0xb8;
	[tilespmem:$0x1C020] =	vst v63  }
0x7d: {  	_ =	swait.ge [sflag:s23], $0x4000  }
0x7e: {  	[sflag:s23] =	ssyncset.done $0x0  }
0x7f: {  	s22 =	simm.s32 $0x9A00;
	[sflag:s23] =	ssyncadd.s32 $0xFFFFC000  }
0x80: {  	[tilespmem:s16], [sflag:$0x3] =	stream.indirect.gather.add.f32 [hbm:s4], $0x20, s22, s12, $0xb8;
	[tilespmem:$0x1C020] =	vst v63  }
0x81: {  	_ =	swait.ge [sflag:s25], $0x4000  }
0x82: {  	[sflag:s25] =	ssyncset.done $0x0  }
0x83: {  	s24 =	simm.s32 $0x9C00;
	[sflag:s25] =	ssyncadd.s32 $0xFFFFC000  }
0x84: {  	[tilespmem:s18], [sflag:$0x4] =	stream.indirect.gather.add.f32 [hbm:s4], $0x20, s24, s12, $0xb8;
	[tilespmem:$0x1C020] =	vst v63  }
0x85: {  	_ =	swait.ge [sflag:s28], $0x4000  }
0x86: {  	[sflag:s28] =	ssyncset.done $0x0  }
0x87: {  	s17 =	simm.s32 $0x9E00;
	[sflag:s28] =	ssyncadd.s32 $0xFFFFC000  }
0x88: {  	[tilespmem:s20], [sflag:$0x5] =	stream.indirect.gather.add.f32 [hbm:s4], $0x20, s17, s12, $0xb8;
	[tilespmem:$0x1C020] =	vst v63  }
0x89: {  	_ =	swait.ge [sflag:s21], $0x4000  }
0x8a: {  	[sflag:s21] =	ssyncset.done $0x0  }
0x8b: {  	s19 =	simm.s32 $0xA000;
	[sflag:s21] =	ssyncadd.s32 $0xFFFFC000  }
0x8c: {  	[tilespmem:s14], [sflag:$0x2] =	stream.indirect.gather.add.f32 [hbm:s4], $0x20, s19, s12, $0xb8;
	[tilespmem:$0x1C020] =	vst v63  }
0x8d: {  	_ =	swait.ge [sflag:s23], $0x4000  }
0x8e: {  	[sflag:s23] =	ssyncset.done $0x0  }
0x8f: {  	s22 =	simm.s32 $0xA200;
	[sflag:s23] =	ssyncadd.s32 $0xFFFFC000  }
0x90: {  	[tilespmem:s16], [sflag:$0x3] =	stream.indirect.gather.add.f32 [hbm:s4], $0x20, s22, s12, $0xb8;
	[tilespmem:$0x1C020] =	vst v63  }
0x91: {  	_ =	swait.ge [sflag:s25], $0x4000  }
0x92: {  	[sflag:s25] =	ssyncset.done $0x0  }
0x93: {  	s24 =	simm.s32 $0xA400;
	[sflag:s25] =	ssyncadd.s32 $0xFFFFC000  }
0x94: {  	[tilespmem:s18], [sflag:$0x4] =	stream.indirect.gather.add.f32 [hbm:s4], $0x20, s24, s12, $0xb8;
	[tilespmem:$0x1C020] =	vst v63  }
0x95: {  	_ =	swait.ge [sflag:s28], $0x4000  }
0x96: {  	[sflag:s28] =	ssyncset.done $0x0  }
0x97: {  	s17 =	simm.s32 $0xA600;
	[sflag:s28] =	ssyncadd.s32 $0xFFFFC000  }
0x98: {  	[tilespmem:s20], [sflag:$0x5] =	stream.indirect.gather.add.f32 [hbm:s4], $0x20, s17, s12, $0xb8;
	[tilespmem:$0x1C020] =	vst v63  }
0x99: {  	_ =	swait.ge [sflag:s21], $0x4000  }
0x9a: {  	[sflag:s21] =	ssyncset.done $0x0  }
0x9b: {  	s19 =	simm.s32 $0xA800;
	[sflag:s21] =	ssyncadd.s32 $0xFFFFC000  }
0x9c: {  	[tilespmem:s14], [sflag:$0x2] =	stream.indirect.gather.add.f32 [hbm:s4], $0x20, s19, s12, $0xb8;
	[tilespmem:$0x1C020] =	vst v63  }
0x9d: {  	_ =	swait.ge [sflag:s23], $0x4000  }
0x9e: {  	[sflag:s23] =	ssyncset.done $0x0  }
0x9f: {  	s22 =	simm.s32 $0xAA00;
	[sflag:s23] =	ssyncadd.s32 $0xFFFFC000  }
0xa0: {  	[tilespmem:s16], [sflag:$0x3] =	stream.indirect.gather.add.f32 [hbm:s4], $0x20, s22, s12, $0xb8;
	[tilespmem:$0x1C020] =	vst v63  }
0xa1: {  	_ =	swait.ge [sflag:s25], $0x4000  }
0xa2: {  	[sflag:s25] =	ssyncset.done $0x0  }
0xa3: {  	s24 =	simm.s32 $0xAC00;
	[sflag:s25] =	ssyncadd.s32 $0xFFFFC000  }
0xa4: {  	[tilespmem:s18], [sflag:$0x4] =	stream.indirect.gather.add.f32 [hbm:s4], $0x20, s24, s12, $0xb8;
	[tilespmem:$0x1C020] =	vst v63  }
0xa5: {  	_ =	swait.ge [sflag:s28], $0x4000  }
0xa6: {  	[sflag:s28] =	ssyncset.done $0x0  }
0xa7: {  	[sflag:s28] =	ssyncadd.s32 $0xFFFFC000  }
0xa8: {  	[tilespmem:s20], [sflag:$0x5] =	stream.indirect.gather.add.f32 [hbm:s4], $0x20, s26, s12, $0xb8;
	[tilespmem:$0x1C020] =	vst v63  }
0xa9: {  	_ =	swait.ge [sflag:s21], $0x4000  }
0xaa: {  	[sflag:s21] =	ssyncset.done $0x0  }
0xab: {  	[sflag:s21] =	ssyncadd.s32 $0xFFFFC000  }
0xac: {  	[tilespmem:s14], [sflag:$0x2] =	stream.indirect.gather.add.f32 [hbm:s4], $0x20, s29, s12, $0xb8;
	[tilespmem:$0x1C020] =	vst v63  }
0xad: {  	_ =	swait.ge [sflag:s23], $0x4000  }
0xae: {  	[sflag:s23] =	ssyncset.done $0x0  }
0xaf: {  	[sflag:s23] =	ssyncadd.s32 $0xFFFFC000  }
0xb0: {  	[tilespmem:s16], [sflag:$0x3] =	stream.indirect.gather.add.f32 [hbm:s4], $0x20, s30, s12, $0xb8;
	[tilespmem:$0x1C020] =	vst v63  }
0xb1: {  	_ =	swait.ge [sflag:s25], $0x4000  }
0xb2: {  	[sflag:s25] =	ssyncset.done $0x0  }
0xb3: {  	[sflag:s25] =	ssyncadd.s32 $0xFFFFC000  }
0xb4: {  	[tilespmem:s18], [sflag:$0x4] =	stream.indirect.gather.add.f32 [hbm:s4], $0x20, s31, s12, $0xb8;
	[tilespmem:$0x1C020] =	vst v63  }
0xb5: {  	_ =	swait.ge [sflag:s28], $0x4000  }
0xb6: {  	[sflag:s28] =	ssyncset.done $0x0  }
0xb7: {  	[sflag:s28] =	ssyncadd.s32 $0xFFFFC000  }
0xb8: {  	[tilespmem:s20], [sflag:$0x5] =	stream.indirect.gather.add.f32 [hbm:s4], $0x20, s0, s12, $0xb8;
	[tilespmem:$0x1C020] =	vst v63  }
0xb9: {  	_ =	swait.ge [sflag:s21], $0x4000  }
0xba: {  	[sflag:s21] =	ssyncset.done $0x0  }
0xbb: {  	[sflag:s21] =	ssyncadd.s32 $0xFFFFC000  }
0xbc: {  	[tilespmem:s14], [sflag:$0x2] =	stream.indirect.gather.add.f32 [hbm:s4], $0x20, s2, s12, $0xb8;
	[tilespmem:$0x1C020] =	vst v63  }
0xbd: {  	_ =	swait.ge [sflag:s23], $0x4000  }
0xbe: {  	[sflag:s23] =	ssyncset.done $0x0  }
0xbf: {  	[sflag:s23] =	ssyncadd.s32 $0xFFFFC000  }
0xc0: {  	[tilespmem:s16], [sflag:$0x3] =	stream.indirect.gather.add.f32 [hbm:s4], $0x20, s3, s12, $0xb8;
	[tilespmem:$0x1C020] =	vst v63  }
0xc1: {  	_ =	swait.ge [sflag:s25], $0x4000  }
0xc2: {  	[sflag:s25] =	ssyncset.done $0x0  }
0xc3: {  	[sflag:s25] =	ssyncadd.s32 $0xFFFFC000  }
0xc4: {  	[tilespmem:s18], [sflag:$0x4] =	stream.indirect.gather.add.f32 [hbm:s4], $0x20, s9, s12, $0xb8;
	[tilespmem:$0x1C020] =	vst v63  }
0xc5: {  	_ =	swait.ge [sflag:s28], $0x4000  }
0xc6: {  	[sflag:s28] =	ssyncset.done $0x0  }
0xc7: {  	[sflag:s28] =	ssyncadd.s32 $0xFFFFC000  }
0xc8: {  	[tilespmem:s20], [sflag:$0x5] =	stream.indirect.gather.add.f32 [hbm:s4], $0x20, s10, s12, $0xb8;
	[tilespmem:$0x1C020] =	vst v63  }
0xc9: {  	_ =	swait.ge [sflag:s21], $0x4000  }
0xca: {  	[sflag:s21] =	ssyncset.done $0x0  }
0xcb: {  	s17 =	simm.s32 $0xC080;
	[sflag:s21] =	ssyncadd.s32 $0xFFFFC000  }
0xcc: {  	v0 =	vld [tilespmem:s17+$0xFFFFFF80]  }
0xcd: {  	v1 =	vld [tilespmem:s17+$0xFFFFFF90]  }
0xce: {  	v2 =	vld [tilespmem:s17+$0xFFFFFFA0]  }
0xcf: {  	v3 =	vld [tilespmem:s17+$0xFFFFFFB0]  }
0xd0: {  	v4 =	vld [tilespmem:s17+$0xFFFFFFC0]  }
0xd1: {  	v6 =	vimm.f32 $0.0e+00;
	v5 =	vld [tilespmem:s17+$0xFFFFFFD0]  }
0xd2: {  	v7 =	vld [tilespmem:s17+$0xFFFFFFE0];
	v0 =	vadd.f32 v0, v6;
	v1 =	vadd.f32 v1, v6  }
0xd3: {  	v6 =	vld [tilespmem:s17+$0xFFFFFFF0]  }
0xd4: {  	v8 =	vld [tilespmem:s17+$0x0];
	v0 =	vadd.f32 v2, v0;
	v1 =	vadd.f32 v3, v1  }
0xd5: {  	v9 =	vld [tilespmem:s17+$0x10]  }
0xd6: {  	v2 =	vld [tilespmem:s17+$0x20];
	v3 =	vadd.f32 v4, v0;
	v1 =	vadd.f32 v5, v1  }
0xd7: {  	v5 =	vld [tilespmem:s17+$0x30]  }
0xd8: {  	v0 =	vld [tilespmem:s17+$0x40];
	v4 =	vadd.f32 v7, v3;
	v7 =	vadd.f32 v6, v1  }
0xd9: {  	v3 =	vld [tilespmem:s17+$0x50]  }
0xda: {  	v1 =	vld [tilespmem:s17+$0x60];
	v6 =	vadd.f32 v8, v4;
	v7 =	vadd.f32 v9, v7  }
0xdb: {  	s15 =	simm.s32 $0x0;
	v4 =	vld [tilespmem:s17+$0x70];
	s17 =	simm.s32 $0xC180  }
.LBB2_6:
0xdc: {  	v8 =	vld [tilespmem:s17+$0xFFFFFF80];
	v2 =	vadd.f32 v2, v6;
	v5 =	vadd.f32 v5, v7  }
0xdd: {  	s15 =	sadd.s32 $0x8, s15;
	v6 =	vld [tilespmem:s17+$0xFFFFFF90]  }
0xde: {  	p1 =	slt.u32 s15, $0x1F8;
	v7 =	vld [tilespmem:s17+$0xFFFFFFA0];
	v0 =	vadd.f32 v0, v2;
	v2 =	vadd.f32 v3, v5  }
0xdf: {  	v3 =	vld [tilespmem:s17+$0xFFFFFFB0]  }
0xe0: {  	v5 =	vld [tilespmem:s17+$0xFFFFFFC0];
	v0 =	vadd.f32 v1, v0;
	v1 =	vadd.f32 v4, v2  }
0xe1: {  	v2 =	vld [tilespmem:s17+$0xFFFFFFD0]  }
0xe2: {  	v0 =	vadd.f32 v8, v0;
	v1 =	vadd.f32 v6, v1;
	v4 =	vld [tilespmem:s17+$0xFFFFFFE0]  }
0xe3: {  	v6 =	vld [tilespmem:s17+$0xFFFFFFF0]  }
0xe4: {  	v0 =	vadd.f32 v7, v0;
	v1 =	vadd.f32 v3, v1;
	v7 =	vld [tilespmem:s17+$0x0]  }
0xe5: {  	v8 =	vld [tilespmem:s17+$0x10]  }
0xe6: {  	v0 =	vadd.f32 v5, v0;
	v1 =	vadd.f32 v2, v1;
	v2 =	vld [tilespmem:s17+$0x20]  }
.Ltmp6:
0xe7: {  	v5 =	vld [tilespmem:s17+$0x30];
	(pc) =	sbr.rel @p1 .LBB2_6-.Ltmp6, $4  }
0xe8: {  	v4 =	vadd.f32 v4, v0;
	v1 =	vadd.f32 v6, v1;
	v0 =	vld [tilespmem:s17+$0x40]  }
0xe9: {  	v3 =	vld [tilespmem:s17+$0x50]  }
0xea: {  	v6 =	vadd.f32 v7, v4;
	v7 =	vadd.f32 v8, v1;
	v1 =	vld [tilespmem:s17+$0x60]  }
0xeb: {  	v4 =	vld [tilespmem:s17+$0x70];
	s17 =	sadd.s32 $0x100, s17  }
0xec: {  	_ =	swait.ge [sflag:s23], $0x4000  }
0xed: {  	[sflag:s23] =	ssyncset.done $0x0  }
0xee: {  	s17 =	simm.s32 $0x10080;
	[sflag:s23] =	ssyncadd.s32 $0xFFFFC000  }
0xef: {  	v2 =	vadd.f32 v2, v6;
	v5 =	vadd.f32 v5, v7;
	v8 =	vld [tilespmem:s17+$0xFFFFFF80]  }
0xf0: {  	v6 =	vld [tilespmem:s17+$0xFFFFFF90]  }
0xf1: {  	v0 =	vadd.f32 v0, v2;
	v2 =	vadd.f32 v3, v5;
	v7 =	vld [tilespmem:s17+$0xFFFFFFA0]  }
0xf2: {  	v3 =	vld [tilespmem:s17+$0xFFFFFFB0]  }
0xf3: {  	v5 =	vld [tilespmem:s17+$0xFFFFFFC0];
	v0 =	vadd.f32 v1, v0;
	v1 =	vadd.f32 v4, v2  }
0xf4: {  	v4 =	vld [tilespmem:s17+$0xFFFFFFD0]  }
0xf5: {  	v9 =	vld [tilespmem:s17+$0xFFFFFFE0];
	v0 =	vadd.f32 v8, v0;
	v1 =	vadd.f32 v6, v1  }
0xf6: {  	v6 =	vld [tilespmem:s17+$0xFFFFFFF0]  }
0xf7: {  	v8 =	vld [tilespmem:s17+$0x0];
	v0 =	vadd.f32 v7, v0;
	v1 =	vadd.f32 v3, v1  }
0xf8: {  	v7 =	vld [tilespmem:s17+$0x10]  }
0xf9: {  	v2 =	vld [tilespmem:s17+$0x20];
	v3 =	vadd.f32 v5, v0;
	v1 =	vadd.f32 v4, v1  }
0xfa: {  	v5 =	vld [tilespmem:s17+$0x30]  }
0xfb: {  	v0 =	vld [tilespmem:s17+$0x40];
	v4 =	vadd.f32 v9, v3;
	v63 =	vadd.f32 v6, v1  }
0xfc: {  	v3 =	vld [tilespmem:s17+$0x50]  }
0xfd: {  	v1 =	vld [tilespmem:s17+$0x60];
	v6 =	vadd.f32 v8, v4;
	v7 =	vadd.f32 v7, v63  }
0xfe: {  	s15 =	simm.s32 $0x0;
	v4 =	vld [tilespmem:s17+$0x70];
	s17 =	simm.s32 $0x10180  }
.LBB2_8:
0xff: {  	v8 =	vld [tilespmem:s17+$0xFFFFFF80];
	v2 =	vadd.f32 v2, v6;
	v5 =	vadd.f32 v5, v7  }
0x100: {  	s15 =	sadd.s32 $0x8, s15;
	v6 =	vld [tilespmem:s17+$0xFFFFFF90]  }
0x101: {  	p1 =	slt.u32 s15, $0x1F8;
	v7 =	vld [tilespmem:s17+$0xFFFFFFA0];
	v0 =	vadd.f32 v0, v2;
	v2 =	vadd.f32 v3, v5  }
0x102: {  	v3 =	vld [tilespmem:s17+$0xFFFFFFB0]  }
0x103: {  	v5 =	vld [tilespmem:s17+$0xFFFFFFC0];
	v0 =	vadd.f32 v1, v0;
	v1 =	vadd.f32 v4, v2  }
0x104: {  	v2 =	vld [tilespmem:s17+$0xFFFFFFD0]  }
0x105: {  	v0 =	vadd.f32 v8, v0;
	v1 =	vadd.f32 v6, v1;
	v4 =	vld [tilespmem:s17+$0xFFFFFFE0]  }
0x106: {  	v6 =	vld [tilespmem:s17+$0xFFFFFFF0]  }
0x107: {  	v0 =	vadd.f32 v7, v0;
	v1 =	vadd.f32 v3, v1;
	v7 =	vld [tilespmem:s17+$0x0]  }
0x108: {  	v8 =	vld [tilespmem:s17+$0x10]  }
0x109: {  	v0 =	vadd.f32 v5, v0;
	v1 =	vadd.f32 v2, v1;
	v2 =	vld [tilespmem:s17+$0x20]  }
.Ltmp7:
0x10a: {  	v5 =	vld [tilespmem:s17+$0x30];
	(pc) =	sbr.rel @p1 .LBB2_8-.Ltmp7, $4  }
0x10b: {  	v4 =	vadd.f32 v4, v0;
	v1 =	vadd.f32 v6, v1;
	v0 =	vld [tilespmem:s17+$0x40]  }
0x10c: {  	v3 =	vld [tilespmem:s17+$0x50]  }
0x10d: {  	v6 =	vadd.f32 v7, v4;
	v7 =	vadd.f32 v8, v1;
	v1 =	vld [tilespmem:s17+$0x60]  }
0x10e: {  	v4 =	vld [tilespmem:s17+$0x70];
	s17 =	sadd.s32 $0x100, s17  }
0x10f: {  	_ =	swait.ge [sflag:s25], $0x4000  }
0x110: {  	[sflag:s25] =	ssyncset.done $0x0  }
0x111: {  	s17 =	simm.s32 $0x14080;
	[sflag:s25] =	ssyncadd.s32 $0xFFFFC000  }
0x112: {  	v2 =	vadd.f32 v2, v6;
	v5 =	vadd.f32 v5, v7;
	v8 =	vld [tilespmem:s17+$0xFFFFFF80]  }
0x113: {  	v6 =	vld [tilespmem:s17+$0xFFFFFF90]  }
0x114: {  	v0 =	vadd.f32 v0, v2;
	v2 =	vadd.f32 v3, v5;
	v7 =	vld [tilespmem:s17+$0xFFFFFFA0]  }
0x115: {  	v3 =	vld [tilespmem:s17+$0xFFFFFFB0]  }
0x116: {  	v5 =	vld [tilespmem:s17+$0xFFFFFFC0];
	v0 =	vadd.f32 v1, v0;
	v1 =	vadd.f32 v4, v2  }
0x117: {  	v4 =	vld [tilespmem:s17+$0xFFFFFFD0]  }
0x118: {  	v9 =	vld [tilespmem:s17+$0xFFFFFFE0];
	v0 =	vadd.f32 v8, v0;
	v1 =	vadd.f32 v6, v1  }
0x119: {  	v6 =	vld [tilespmem:s17+$0xFFFFFFF0]  }
0x11a: {  	v8 =	vld [tilespmem:s17+$0x0];
	v0 =	vadd.f32 v7, v0;
	v1 =	vadd.f32 v3, v1  }
0x11b: {  	v7 =	vld [tilespmem:s17+$0x10]  }
0x11c: {  	v2 =	vld [tilespmem:s17+$0x20];
	v3 =	vadd.f32 v5, v0;
	v1 =	vadd.f32 v4, v1  }
0x11d: {  	v5 =	vld [tilespmem:s17+$0x30]  }
0x11e: {  	v0 =	vld [tilespmem:s17+$0x40];
	v4 =	vadd.f32 v9, v3;
	v63 =	vadd.f32 v6, v1  }
0x11f: {  	v3 =	vld [tilespmem:s17+$0x50]  }
0x120: {  	v1 =	vld [tilespmem:s17+$0x60];
	v6 =	vadd.f32 v8, v4;
	v7 =	vadd.f32 v7, v63  }
0x121: {  	s15 =	simm.s32 $0x0;
	v4 =	vld [tilespmem:s17+$0x70];
	s17 =	simm.s32 $0x14180  }
.LBB2_10:
0x122: {  	v8 =	vld [tilespmem:s17+$0xFFFFFF80];
	v2 =	vadd.f32 v2, v6;
	v5 =	vadd.f32 v5, v7  }
0x123: {  	s15 =	sadd.s32 $0x8, s15;
	v6 =	vld [tilespmem:s17+$0xFFFFFF90]  }
0x124: {  	p1 =	slt.u32 s15, $0x1F8;
	v7 =	vld [tilespmem:s17+$0xFFFFFFA0];
	v0 =	vadd.f32 v0, v2;
	v2 =	vadd.f32 v3, v5  }
0x125: {  	v3 =	vld [tilespmem:s17+$0xFFFFFFB0]  }
0x126: {  	v5 =	vld [tilespmem:s17+$0xFFFFFFC0];
	v0 =	vadd.f32 v1, v0;
	v1 =	vadd.f32 v4, v2  }
0x127: {  	v2 =	vld [tilespmem:s17+$0xFFFFFFD0]  }
0x128: {  	v0 =	vadd.f32 v8, v0;
	v1 =	vadd.f32 v6, v1;
	v4 =	vld [tilespmem:s17+$0xFFFFFFE0]  }
0x129: {  	v6 =	vld [tilespmem:s17+$0xFFFFFFF0]  }
0x12a: {  	v0 =	vadd.f32 v7, v0;
	v1 =	vadd.f32 v3, v1;
	v7 =	vld [tilespmem:s17+$0x0]  }
0x12b: {  	v8 =	vld [tilespmem:s17+$0x10]  }
0x12c: {  	v0 =	vadd.f32 v5, v0;
	v1 =	vadd.f32 v2, v1;
	v2 =	vld [tilespmem:s17+$0x20]  }
.Ltmp8:
0x12d: {  	v5 =	vld [tilespmem:s17+$0x30];
	(pc) =	sbr.rel @p1 .LBB2_10-.Ltmp8, $4  }
0x12e: {  	v4 =	vadd.f32 v4, v0;
	v1 =	vadd.f32 v6, v1;
	v0 =	vld [tilespmem:s17+$0x40]  }
0x12f: {  	v3 =	vld [tilespmem:s17+$0x50]  }
0x130: {  	v6 =	vadd.f32 v7, v4;
	v7 =	vadd.f32 v8, v1;
	v1 =	vld [tilespmem:s17+$0x60]  }
0x131: {  	v4 =	vld [tilespmem:s17+$0x70];
	s17 =	sadd.s32 $0x100, s17  }
0x132: {  	_ =	swait.ge [sflag:s28], $0x4000  }
0x133: {  	[sflag:s28] =	ssyncset.done $0x0  }
0x134: {  	s17 =	simm.s32 $0x18080;
	[sflag:s28] =	ssyncadd.s32 $0xFFFFC000  }
0x135: {  	v2 =	vadd.f32 v2, v6;
	v5 =	vadd.f32 v5, v7;
	v8 =	vld [tilespmem:s17+$0xFFFFFF80]  }
0x136: {  	v6 =	vld [tilespmem:s17+$0xFFFFFF90]  }
0x137: {  	v0 =	vadd.f32 v0, v2;
	v2 =	vadd.f32 v3, v5;
	v7 =	vld [tilespmem:s17+$0xFFFFFFA0]  }
0x138: {  	v3 =	vld [tilespmem:s17+$0xFFFFFFB0]  }
0x139: {  	v5 =	vld [tilespmem:s17+$0xFFFFFFC0];
	v0 =	vadd.f32 v1, v0;
	v1 =	vadd.f32 v4, v2  }
0x13a: {  	v2 =	vld [tilespmem:s17+$0xFFFFFFD0]  }
0x13b: {  	v4 =	vld [tilespmem:s17+$0xFFFFFFE0];
	v0 =	vadd.f32 v8, v0;
	v1 =	vadd.f32 v6, v1  }
0x13c: {  	v6 =	vld [tilespmem:s17+$0xFFFFFFF0]  }
0x13d: {  	v9 =	vld [tilespmem:s17+$0x10];
	v7 =	vadd.f32 v7, v0;
	v1 =	vadd.f32 v3, v1  }
0x13e: {  	v8 =	vld [tilespmem:s17+$0x0]  }
0x13f: {  	v0 =	vld [tilespmem:s17+$0x20];
	v5 =	vadd.f32 v5, v7;
	v2 =	vadd.f32 v2, v1  }
0x140: {  	v3 =	vld [tilespmem:s17+$0x30]  }
0x141: {  	v1 =	vld [tilespmem:s17+$0x40];
	v5 =	vadd.f32 v4, v5;
	v7 =	vadd.f32 v6, v2  }
0x142: {  	v4 =	vld [tilespmem:s17+$0x50]  }
0x143: {  	v2 =	vld [tilespmem:s17+$0x60];
	v6 =	vadd.f32 v8, v5;
	v7 =	vadd.f32 v9, v7  }
0x144: {  	s15 =	simm.s32 $0x0;
	v5 =	vld [tilespmem:s17+$0x70];
	s17 =	simm.s32 $0x18180  }
.LBB2_12:
0x145: {  	v8 =	vld [tilespmem:s17+$0xFFFFFF80];
	v0 =	vadd.f32 v0, v6;
	v3 =	vadd.f32 v3, v7  }
0x146: {  	s15 =	sadd.s32 $0x8, s15;
	v6 =	vld [tilespmem:s17+$0xFFFFFF90]  }
0x147: {  	p1 =	slt.u32 s15, $0x1F8;
	v7 =	vld [tilespmem:s17+$0xFFFFFFA0];
	v0 =	vadd.f32 v1, v0;
	v1 =	vadd.f32 v4, v3  }
0x148: {  	v3 =	vld [tilespmem:s17+$0xFFFFFFB0]  }
0x149: {  	v4 =	vld [tilespmem:s17+$0xFFFFFFC0];
	v0 =	vadd.f32 v2, v0;
	v1 =	vadd.f32 v5, v1  }
0x14a: {  	v2 =	vld [tilespmem:s17+$0xFFFFFFD0]  }
0x14b: {  	v0 =	vadd.f32 v8, v0;
	v1 =	vadd.f32 v6, v1;
	v5 =	vld [tilespmem:s17+$0xFFFFFFE0]  }
0x14c: {  	v6 =	vld [tilespmem:s17+$0xFFFFFFF0]  }
0x14d: {  	v0 =	vadd.f32 v7, v0;
	v1 =	vadd.f32 v3, v1;
	v7 =	vld [tilespmem:s17+$0x0]  }
0x14e: {  	v8 =	vld [tilespmem:s17+$0x10]  }
0x14f: {  	v4 =	vadd.f32 v4, v0;
	v1 =	vadd.f32 v2, v1;
	v0 =	vld [tilespmem:s17+$0x20]  }
.Ltmp9:
0x150: {  	v3 =	vld [tilespmem:s17+$0x30];
	(pc) =	sbr.rel @p1 .LBB2_12-.Ltmp9, $4  }
0x151: {  	v2 =	vadd.f32 v5, v4;
	v5 =	vadd.f32 v6, v1;
	v1 =	vld [tilespmem:s17+$0x40]  }
0x152: {  	v4 =	vld [tilespmem:s17+$0x50]  }
0x153: {  	v6 =	vadd.f32 v7, v2;
	v7 =	vadd.f32 v8, v5;
	v2 =	vld [tilespmem:s17+$0x60]  }
0x154: {  	v5 =	vld [tilespmem:s17+$0x70];
	s17 =	sadd.s32 $0x100, s17  }
0x155: {  	v0 =	vadd.f32 v0, v6  }
0x156: {  	v3 =	vadd.f32 v3, v7  }
0x157: {  	v0 =	vadd.f32 v1, v0  }
0x158: {  	v63 =	vadd.f32 v4, v3  }
0x159: {  	v0 =	vadd.f32 v2, v0  }
0x15a: {  	v1 =	vadd.f32 v5, v63  }
0x15b: {  	s13 =	sshll.u32 s13, $0x2;
	s15 =	rddreg [dreg:$0x2];
	[tilespmem:$0x1C000] =	vst v0  }
.Ltmp10:
0x15c: {  	s24 =	simm.s32 $0x0;
	s13 =	sadd.s32 s15, s13;
	[tilespmem:$0x1C010] =	vst v1;
	(pc) =	sbr.rel .LBB2_14-.Ltmp10, $4  }
0x15d: {  	[hbm4b:s13+s24] =	stream.linear.scatter [tilespmem:s6], [sflag:$0x6], $0x20, $0x38;
	[tilespmem:$0x1C020] =	vst v63  }
0x15e: {  	_ =	swait.ge [sflag:s8], $0x20  }
0x15f: {  	[sflag:s8] =	ssyncset.done $0x0  }
0x160: {  	[sflag:s8] =	ssyncadd.s32 $0xFFFFFFE0  }
.LBB2_16:
0x161: {  	_ =	sfence.sel $0x180000  }
0x162: {  	[bflag:$0x0] =	sbarrier.arrive $0xFFFF  }
0x163: {  	_ =	strace $0x90000047  }
0x164: {  	s0 =	stileid.u32;
	[bflag:$0x2] =	sbarrier.arrive $0xFFFF  }
0x165: {  	p0 =	sne.s32 s0, $0x0;
	s0 =	rddreg [dreg:$0x3]  }
0x166: {  	s0 =	sadd.s32 @!p0 $0x100000, s0  }
0x167: {  	[sflag:s0] =	ssyncadd.tile.s32 @!p0 $0x1;
	_ =	shalt  }
.Lfunc_end2:
_tile_overlayer_lowered:
.L_overlay_start_2:
0x168: {  	(tag) =	ssettag $0x2  }
0x169: {  	s0 =	rddreg [dreg:$0x0];
	s2 =	stileid.u32  }
0x16a: {  	s1 =	rddreg [dreg:$0x1];
	p0 =	sne.s32 s2, $0x0  }
0x16b: {  	s3 =	rddreg [dreg:$0x2];
	[bflag:$0x3] =	sbarrier.arrive $0xFFFF;
	s2 =	simm.s32 @!p0 $0x1C06  }
0x16c: {  	[timem:s3], [sflag:s2] =	dma.local @!p0 [hbm:s0], s1  }
0x16d: {  	s0 =	simm.s32 @!p0 $0x6  }
0x16e: {  	_ =	swait.ge @!p0 [sflag:s0], s1  }
0x16f: {  	s1 =	ssub.s32 @!p0 $0x0, s1;
	[sflag:s0] =	ssyncset.done @!p0 $0x0  }
0x170: {  	[sflag:s0] =	ssyncadd.s32 @!p0 s1  }
0x171: {  	[bflag:$0x3] =	sbarrier.arrive $0xFFFF  }
0x172: {  	_ =	shalt  }

</sc_bundles>
